<compile_context>
chip_gen: v7x
topology: tpu7x:2x2x1
jax: 0.10.2.dev20260603
libtpu: 0.0.44.dev20260713+nightly
codegen_flags: <defaults>
</compile_context>

<pallas_src>
import functools

import jax
import jax.numpy as jnp
from jax import lax
from jax.experimental import pallas as pl
from jax.experimental.pallas import tpu as pltpu
from jax.experimental.pallas import tpu_sc as plsc

B = 8
C = 96
H = 224
W = 224
HW = H * W

NC = 2
NS = 16
NW = NC * NS
CH_PER_W = C // (NW // B)

SLAB = 1792
NSLAB = HW // SLAB
CHUNKS = SLAB // 16
PASSES = CH_PER_W // 2


def _tc_coeffs_body(h_ref, gx_ref, gy_ref, idx_ref, w1_ref, w2_ref):
    b = pl.program_id(0)
    gx = gx_ref[...].astype(jnp.bfloat16).astype(jnp.float32)
    gy = gy_ref[...].astype(jnp.bfloat16).astype(jnp.float32)
    h00 = h_ref[b, 0, 0]
    h01 = h_ref[b, 0, 1]
    h02 = h_ref[b, 0, 2]
    h10 = h_ref[b, 1, 0]
    h11 = h_ref[b, 1, 1]
    h12 = h_ref[b, 1, 2]
    h20 = h_ref[b, 2, 0]
    h21 = h_ref[b, 2, 1]
    h22 = h_ref[b, 2, 2]
    def q(v):
        return v.astype(jnp.bfloat16).astype(jnp.float32)
    t_s = q(h20) * gx + q(h21) * gy + q(h22)
    x = (q(h00) * gx + q(h01) * gy + q(h02)) / t_s
    y = (q(h10) * gx + q(h11) * gy + q(h12)) / t_s
    x = (x + 1.0) * (W / 2.0)
    y = (y + 1.0) * (H / 2.0)
    x0f = jnp.floor(x)
    y0f = jnp.floor(y)
    x0c = jnp.clip(x0f, 0.0, W - 1.0)
    x1c = jnp.clip(x0f + 1.0, 0.0, W - 1.0)
    y0c = jnp.clip(y0f, 0.0, H - 1.0)
    y1c = jnp.clip(y0f + 1.0, 0.0, H - 1.0)
    fx0 = x - x0c
    fy0 = y - y0c
    dxf = x1c - x0c
    dyf = y1c - y0c
    fx1 = dxf - fx0
    fy1 = dyf - fy0
    gate = (dxf * dyf) > 0.5
    zero = jnp.zeros_like(fx0)
    wa = jnp.where(gate, fx1 * fy1, zero)
    wb = jnp.where(gate, fx1 * fy0, zero)
    wc = jnp.where(gate, fx0 * fy1, zero)
    wd = jnp.where(gate, fx0 * fy0, zero)

    def b16(v):
        return jax.lax.bitcast_convert_type(
            v.astype(jnp.bfloat16), jnp.uint16).astype(jnp.uint32)

    w1_ref[0] = jax.lax.bitcast_convert_type((b16(wa) << 16) | b16(wb), jnp.int32)
    w2_ref[0] = jax.lax.bitcast_convert_type((b16(wc) << 16) | b16(wd), jnp.int32)
    ia = jnp.clip((y0c * float(W) + x0c).astype(jnp.int32), 0, HW - 1)
    dy = jnp.clip((y1c - y0c).astype(jnp.int32), 0, 1)
    ib = jnp.clip(ia + dy * W, 0, HW - 1)
    idx_ref[0] = ia | (ib << 16)


def _tc_coeffs(h_tf, gx, gy):
    return pl.pallas_call(
        _tc_coeffs_body,
        grid=(B,),
        in_specs=[
            pl.BlockSpec(memory_space=pltpu.SMEM),
            pl.BlockSpec((HW // 128, 128), lambda b: (0, 0)),
            pl.BlockSpec((HW // 128, 128), lambda b: (0, 0)),
        ],
        out_specs=[
            pl.BlockSpec((1, HW // 128, 128), lambda b: (b, 0, 0)),
            pl.BlockSpec((1, HW // 128, 128), lambda b: (b, 0, 0)),
            pl.BlockSpec((1, HW // 128, 128), lambda b: (b, 0, 0)),
        ],
        out_shape=[
            jax.ShapeDtypeStruct((B, HW // 128, 128), jnp.int32),
            jax.ShapeDtypeStruct((B, HW // 128, 128), jnp.int32),
            jax.ShapeDtypeStruct((B, HW // 128, 128), jnp.int32),
        ],
    )(h_tf, gx, gy)


PPB = 16


def _tc_pairs_body(v_ref, out_ref):
    v = v_ref[...]
    vy = jnp.roll(v, -1, axis=2)
    rowroll = jnp.roll(v, -1, axis=1)[:, :, 0:1]
    lane = jax.lax.broadcasted_iota(jnp.int32, (PPB, HW // 128, 128), 2)
    vnext = jnp.where(lane == 127, rowroll, vy)
    a = jax.lax.bitcast_convert_type(
        v.astype(jnp.bfloat16), jnp.uint16).astype(jnp.uint32)
    bb = jax.lax.bitcast_convert_type(
        vnext.astype(jnp.bfloat16), jnp.uint16).astype(jnp.uint32)
    out_ref[...] = jax.lax.bitcast_convert_type((a << 16) | bb, jnp.int32)


def _tc_pairs(img3):
    return pl.pallas_call(
        _tc_pairs_body,
        grid=(B * C // PPB,),
        in_specs=[pl.BlockSpec((PPB, HW // 128, 128), lambda i: (i, 0, 0))],
        out_specs=pl.BlockSpec((PPB, HW // 128, 128), lambda i: (i, 0, 0)),
        out_shape=jax.ShapeDtypeStruct((B * C, HW // 128, 128), jnp.int32),
    )(img3)


def _sc_body(img, packed, w1h, w2h, out,
             plane_a, plane_b, idx_v0, idx_v1, w1_v0, w1_v1, w2_v0, w2_v1,
             outa0, outa1, outb0, outb1, psem, ssem, osem):
    idx_v = (idx_v0, idx_v1)
    w1_v = (w1_v0, w1_v1)
    w2_v = (w2_v0, w2_v1)
    out_a = (outa0, outa1)
    out_b = (outb0, outb1)
    cid = lax.axis_index("c")
    sid = lax.axis_index("s")
    wid = sid * NC + cid
    b = wid // (NW // B)
    grp = wid % (NW // B)
    c0 = grp * CH_PER_W

    def start_planes(c):
        offa = pl.multiple_of((b * C + c) * HW, 8)
        offb = pl.multiple_of((b * C + c + 1) * HW, 8)
        pltpu.make_async_copy(img.at[pl.ds(offa, HW)], plane_a, psem.at[0]).start()
        pltpu.make_async_copy(img.at[pl.ds(offb, HW)], plane_b, psem.at[1]).start()

    def wait_planes():
        pltpu.make_async_copy(img.at[pl.ds(0, HW)], plane_a, psem.at[0]).wait()
        pltpu.make_async_copy(img.at[pl.ds(0, HW)], plane_b, psem.at[1]).wait()

    def start_slab(s, slot):
        off = pl.multiple_of(b * HW + s * SLAB, 8)
        sl = pl.ds(off, SLAB)
        pltpu.make_async_copy(packed.at[sl], idx_v[slot], ssem.at[slot]).start()
        pltpu.make_async_copy(w1h.at[sl], w1_v[slot], ssem.at[slot]).start()
        pltpu.make_async_copy(w2h.at[sl], w2_v[slot], ssem.at[slot]).start()

    def wait_slab(slot):
        sl = pl.ds(0, SLAB)
        pltpu.make_async_copy(packed.at[sl], idx_v[slot], ssem.at[slot]).wait()
        pltpu.make_async_copy(w1h.at[sl], w1_v[slot], ssem.at[slot]).wait()
        pltpu.make_async_copy(w2h.at[sl], w2_v[slot], ssem.at[slot]).wait()

    def start_out(c, s, slot):
        offa = pl.multiple_of((b * C + c) * HW + s * SLAB, 8)
        offb = pl.multiple_of((b * C + c + 1) * HW + s * SLAB, 8)
        pltpu.make_async_copy(
            out_a[slot], out.at[pl.ds(offa, SLAB)], osem.at[slot]).start()
        pltpu.make_async_copy(
            out_b[slot], out.at[pl.ds(offb, SLAB)], osem.at[slot]).start()

    def wait_out(slot):
        pltpu.make_async_copy(
            out_a[slot], out.at[pl.ds(0, SLAB)], osem.at[slot]).wait()
        pltpu.make_async_copy(
            out_b[slot], out.at[pl.ds(0, SLAB)], osem.at[slot]).wait()

    himask = jnp.int32(-65536)

    def do_slab(slot):
        iv = idx_v[slot]
        w1v = w1_v[slot]
        w2v = w2_v[slot]
        ova = out_a[slot]
        ovb = out_b[slot]

        @plsc.parallel_loop(0, CHUNKS, unroll=1)
        def chunk(k):
            p = pl.ds(k * 16, 16)
            w1 = w1v[p]
            w2 = w2v[p]
            nz = jnp.any((w1 | w2) != 0)

            @pl.when(nz)
            def _():
                w = iv[p]
                ia = w & 0xFFFF
                ib = (w >> 16) & 0xFFFF
                wa = plsc.bitcast(w1 & himask, jnp.float32)
                wb = plsc.bitcast(w1 << 16, jnp.float32)
                wc = plsc.bitcast(w2 & himask, jnp.float32)
                wd = plsc.bitcast(w2 << 16, jnp.float32)
                ga = plsc.load_gather(plane_a, [ia])
                gb = plsc.load_gather(plane_a, [ib])
                va = plsc.bitcast(ga & himask, jnp.float32)
                vc = plsc.bitcast(ga << 16, jnp.float32)
                vb = plsc.bitcast(gb & himask, jnp.float32)
                vd = plsc.bitcast(gb << 16, jnp.float32)
                ova[p] = wa * va + wb * vb + (wc * vc + wd * vd)
                ha = plsc.load_gather(plane_b, [ia])
                hb = plsc.load_gather(plane_b, [ib])
                ua = plsc.bitcast(ha & himask, jnp.float32)
                uc = plsc.bitcast(ha << 16, jnp.float32)
                ub = plsc.bitcast(hb & himask, jnp.float32)
                ud = plsc.bitcast(hb << 16, jnp.float32)
                ovb[p] = wa * ua + wb * ub + (wc * uc + wd * ud)

            @pl.when(jnp.logical_not(nz))
            def _():
                z = jnp.zeros((16,), jnp.float32)
                ova[p] = z
                ovb[p] = z

    start_planes(c0)
    start_slab(0, 0)

    def pass_body(jj, carry):
        c = c0 + jj * 2
        wait_planes()

        def slab_pair(ss, carry2):
            for qq in range(2):
                s = ss * 2 + qq
                @pl.when(s + 1 < NSLAB)
                def _():
                    start_slab(s + 1, 1 - qq)

                wait_slab(qq)
                @pl.when(jnp.logical_or(s >= 2, jj >= 1))
                def _():
                    wait_out(qq)
                do_slab(qq)
                start_out(c, s, qq)
            return carry2

        lax.fori_loop(0, NSLAB // 2, slab_pair, 0)
        @pl.when(jj < PASSES - 1)
        def _():
            start_slab(0, 0)
            start_planes(c + 2)
        return carry

    lax.fori_loop(0, PASSES, pass_body, 0)
    for qq in range(2):
        wait_out(qq)


_sc_sample = functools.partial(
    pl.kernel,
    out_type=jax.ShapeDtypeStruct((B * C * HW,), jnp.float32),
    mesh=plsc.VectorSubcoreMesh(core_axis_name="c", subcore_axis_name="s"),
    compiler_params=pltpu.CompilerParams(needs_layout_passes=False),
    scratch_types=[
        pltpu.VMEM((HW,), jnp.int32),
        pltpu.VMEM((HW,), jnp.int32),
        pltpu.VMEM((SLAB,), jnp.int32),
        pltpu.VMEM((SLAB,), jnp.int32),
        pltpu.VMEM((SLAB,), jnp.int32),
        pltpu.VMEM((SLAB,), jnp.int32),
        pltpu.VMEM((SLAB,), jnp.int32),
        pltpu.VMEM((SLAB,), jnp.int32),
        pltpu.VMEM((SLAB,), jnp.float32),
        pltpu.VMEM((SLAB,), jnp.float32),
        pltpu.VMEM((SLAB,), jnp.float32),
        pltpu.VMEM((SLAB,), jnp.float32),
        pltpu.SemaphoreType.DMA((2,)),
        pltpu.SemaphoreType.DMA((2,)),
        pltpu.SemaphoreType.DMA((2,)),
    ],
)(_sc_body)


def kernel(image2_tensor, H_tf, grid, base):
    del base
    img3 = image2_tensor.reshape(B * C, HW // 128, 128)
    pairs = _tc_pairs(img3)
    gx = grid[0, 0].reshape(HW // 128, 128)
    gy = grid[0, 1].reshape(HW // 128, 128)
    h_tf = H_tf.reshape(B, 3, 3).astype(jnp.float32)
    packed, w1, w2 = _tc_coeffs(h_tf, gx, gy)
    out = _sc_sample(
        pairs.reshape(B * C * HW),
        packed.reshape(B * HW),
        w1.reshape(B * HW),
        w2.reshape(B * HW),
    )
    return out.reshape(B, C, H, W)

# --- scband reference (transcript-rebuilt; emitter-appended) ---
"""Pipeline reference for scband-transform-51067161149510 (READ-ONLY COPY).

The authoritative reference and input builder live on the scoring server;
editing this copy changes nothing except your own understanding.
"""

import jax, jax.numpy as jnp
import numpy as np

B = 8
HH = 224
WW = 224
C = 96

def _meshgrid(height, width):
    x_t = jnp.matmul(jnp.ones((height, 1), dtype=jnp.float32), jnp.linspace(-1.0, 1.0, width, dtype=jnp.float32).reshape(1, width))
    y_t = jnp.matmul(jnp.linspace(-1.0, 1.0, height, dtype=jnp.float32).reshape(height, 1), jnp.ones((1, width), dtype=jnp.float32))
    x_t_flat = x_t.reshape(1, -1)
    y_t_flat = y_t.reshape(1, -1)
    ones = jnp.ones_like(x_t_flat)
    return jnp.concatenate([x_t_flat, y_t_flat, ones], axis=0)

def setup_inputs(seed: int = 0) -> dict:
    key = jax.random.key(seed)
    k1, k2 = jax.random.split(key)
    image2_tensor = jax.random.normal(k1, (B, C, HH, WW), dtype=jnp.float32)
    H_tf = jax.random.normal(k2, (B, 3, 3), dtype=jnp.float32)
    grid = jnp.tile(_meshgrid(HH, WW)[None, :, :], (B, 1, 1))
    base = jnp.repeat(jnp.arange(B, dtype=jnp.float32) * float(WW * HH), HH * WW)
    return {"image2_tensor": image2_tensor, "H_tf": H_tf, "grid": grid, "base": base}

def _interpolate(im, x, y, base):
    height = im.shape[1]
    width = im.shape[2]
    channels = im.shape[3]
    max_y = height - 1
    max_x = width - 1
    x = (x + 1.0) * width / 2.0
    y = (y + 1.0) * height / 2.0
    x0 = jnp.floor(x)
    x1 = x0 + 1.0
    y0 = jnp.floor(y)
    y1 = y0 + 1.0
    x0 = jnp.clip(x0, 0.0, max_x)
    x1 = jnp.clip(x1, 0.0, max_x)
    y0 = jnp.clip(y0, 0.0, max_y)
    y1 = jnp.clip(y1, 0.0, max_y)
    dim2 = width
    base_y0 = base + y0 * dim2
    base_y1 = base + y1 * dim2
    idx_a = (base_y0 + x0).astype(jnp.int32)
    idx_b = (base_y1 + x0).astype(jnp.int32)
    idx_c = (base_y0 + x1).astype(jnp.int32)
    idx_d = (base_y1 + x1).astype(jnp.int32)
    im_flat = im.reshape(-1, channels)
    Ia = jnp.take(im_flat, idx_a, axis=0)
    Ib = jnp.take(im_flat, idx_b, axis=0)
    Ic = jnp.take(im_flat, idx_c, axis=0)
    Id = jnp.take(im_flat, idx_d, axis=0)
    wa = ((x1 - x) * (y1 - y))[:, None]
    wb = ((x1 - x) * (y - y0))[:, None]
    wc = ((x - x0) * (y1 - y))[:, None]
    wd = ((x - x0) * (y - y0))[:, None]
    return wa * Ia + wb * Ib + wc * Ic + wd * Id

def reference(image2_tensor, H_tf, grid, base):
    num_batch = image2_tensor.shape[0]
    num_channels = image2_tensor.shape[1]
    height = image2_tensor.shape[2]
    width = image2_tensor.shape[3]
    H_tf = H_tf.reshape(-1, 3, 3).astype(jnp.float32)
    T_g = jnp.matmul(H_tf, grid)
    x_s = T_g[:, 0:1, :]
    y_s = T_g[:, 1:2, :]
    t_s = T_g[:, 2:3, :]
    t_s_flat = t_s.reshape(-1)
    x_s_flat = x_s.reshape(-1) / t_s_flat
    y_s_flat = y_s.reshape(-1) / t_s_flat
    im = jnp.transpose(image2_tensor, (0, 2, 3, 1))
    input_transformed = _interpolate(im, x_s_flat, y_s_flat, base)
    output = jnp.transpose(input_transformed.reshape(num_batch, height, width, num_channels), (0, 3, 1, 2))
    return output

if __name__ == "__main__":
    import jax
    _d = setup_inputs()
    print(jax.jit(kernel)(*tuple(_d.values())))

</pallas_src>

<mosaic_0001>
#map = affine_map<(d0, d1) -> (0)>
module attributes {stable_mosaic.version = 14 : i64} {
  func.func @_sc_body(%arg0: i32, %arg1: i32, %arg2: memref<38535168xi32, #tpu.memory_space<hbm>>, %arg3: memref<401408xi32, #tpu.memory_space<hbm>>, %arg4: memref<401408xi32, #tpu.memory_space<hbm>>, %arg5: memref<401408xi32, #tpu.memory_space<hbm>>, %arg6: memref<38535168xf32, #tpu.memory_space<hbm>>, %arg7: memref<50176xi32, #tpu.memory_space<vmem>>, %arg8: memref<50176xi32, #tpu.memory_space<vmem>>, %arg9: memref<1792xi32, #tpu.memory_space<vmem>>, %arg10: memref<1792xi32, #tpu.memory_space<vmem>>, %arg11: memref<1792xi32, #tpu.memory_space<vmem>>, %arg12: memref<1792xi32, #tpu.memory_space<vmem>>, %arg13: memref<1792xi32, #tpu.memory_space<vmem>>, %arg14: memref<1792xi32, #tpu.memory_space<vmem>>, %arg15: memref<1792xf32, #tpu.memory_space<vmem>>, %arg16: memref<1792xf32, #tpu.memory_space<vmem>>, %arg17: memref<1792xf32, #tpu.memory_space<vmem>>, %arg18: memref<1792xf32, #tpu.memory_space<vmem>>, %arg19: memref<2x!tpu.dma_semaphore, #tpu.memory_space<semaphore_mem>>, %arg20: memref<2x!tpu.dma_semaphore, #tpu.memory_space<semaphore_mem>>, %arg21: memref<2x!tpu.dma_semaphore, #tpu.memory_space<semaphore_mem>>) attributes {dimension_semantics = [#tpu.dimension_semantics<core_parallel>, #tpu.dimension_semantics<subcore_parallel>], iteration_bounds = array<i64: 2, 16>, scalar_prefetch = 0 : i64, scratch_operands = 15 : i64, tpu.core_type = #tpu.core_type<sc_vector_subcore>, window_params = [{transform_indices = #map}, {transform_indices = #map}, {transform_indices = #map}, {transform_indices = #map}, {transform_indices = #map}]} {
    %mul3A = arith.constant 2 : i32
    %mul3A_0 = arith.muli %arg1, %mul3A : i32
    %add3A = arith.addi %mul3A_0, %arg0 : i32
    %jit3A = arith.constant 4 : i32
    %div3A = arith.divsi %add3A, %jit3A : i32
    %sign3A = arith.constant 0 : i32
    %sign3A_1 = arith.cmpi sgt, %add3A, %sign3A : i32
    %sign3A_2 = arith.extui %sign3A_1 : i1 to i32
    %sign3A_3 = arith.constant 0 : i32
    %sign3A_4 = arith.cmpi slt, %add3A, %sign3A_3 : i32
    %sign3A_5 = arith.extui %sign3A_4 : i1 to i32
    %sign3A_6 = arith.subi %sign3A_2, %sign3A_5 : i32
    %sign3A_7 = arith.constant 0 : i32
    %sign3A_8 = arith.cmpi sgt, %jit3A, %sign3A_7 : i32
    %sign3A_9 = arith.extui %sign3A_8 : i1 to i32
    %sign3A_10 = arith.constant 0 : i32
    %sign3A_11 = arith.cmpi slt, %jit3A, %sign3A_10 : i32
    %sign3A_12 = arith.extui %sign3A_11 : i1 to i32
    %sign3A_13 = arith.subi %sign3A_9, %sign3A_12 : i32
    %ne3A = arith.cmpi ne, %sign3A_6, %sign3A_13 : i32
    %rem3A = arith.remsi %add3A, %jit3A : i32
    %ne3A_14 = arith.constant 0 : i32
    %ne3A_15 = arith.cmpi ne, %rem3A, %ne3A_14 : i32
    %and3A = arith.andi %ne3A, %ne3A_15 : i1
    %sub3A = arith.constant 1 : i32
    %sub3A_16 = arith.subi %div3A, %sub3A : i32
    %select_n3A = arith.select %and3A, %sub3A_16, %div3A : i32
    %jit3A_17 = arith.constant 4 : i32
    %eq3A = arith.constant 0 : i32
    %eq3A_18 = arith.cmpi eq, %jit3A_17, %eq3A : i32
    %jit3A_19 = arith.constant 1 : i32
    %select_n3A_20 = arith.select %eq3A_18, %jit3A_19, %jit3A_17 : i32
    %rem3A_21 = arith.remsi %add3A, %select_n3A_20 : i32
    %ne3A_22 = arith.constant 0 : i32
    %ne3A_23 = arith.cmpi ne, %rem3A_21, %ne3A_22 : i32
    %lt3A = arith.constant 0 : i32
    %lt3A_24 = arith.cmpi slt, %rem3A_21, %lt3A : i32
    %lt3A_25 = arith.constant 0 : i32
    %lt3A_26 = arith.cmpi slt, %select_n3A_20, %lt3A_25 : i32
    %ne3A_27 = arith.xori %lt3A_24, %lt3A_26 : i1
    %and3A_28 = arith.andi %ne3A_27, %ne3A_23 : i1
    %add3A_29 = arith.addi %rem3A_21, %select_n3A_20 : i32
    %select_n3A_30 = arith.select %and3A_28, %add3A_29, %rem3A_21 : i32
    %mul3A_31 = arith.constant 24 : i32
    %mul3A_32 = arith.muli %select_n3A_30, %mul3A_31 : i32
    %mul3A_33 = arith.constant 96 : i32
    %mul3A_34 = arith.muli %select_n3A, %mul3A_33 : i32
    %add3A_35 = arith.addi %mul3A_34, %mul3A_32 : i32
    %mul3A_36 = arith.constant 50176 : i32
    %mul3A_37 = arith.muli %add3A_35, %mul3A_36 : i32
    %multiple_of3A = tpu.assume_multiple %mul3A_37, 8 : i32
    %mul3A_38 = arith.constant 96 : i32
    %mul3A_39 = arith.muli %select_n3A, %mul3A_38 : i32
    %add3A_40 = arith.addi %mul3A_39, %mul3A_32 : i32
    %add3A_41 = arith.constant 1 : i32
    %add3A_42 = arith.addi %add3A_40, %add3A_41 : i32
    %mul3A_43 = arith.constant 50176 : i32
    %mul3A_44 = arith.muli %add3A_42, %mul3A_43 : i32
    %multiple_of3A_45 = tpu.assume_multiple %mul3A_44, 8 : i32
    %dma_start3A = arith.constant 0 : i32
    %dma_start3A_46 = tpu.memref_slice %arg2[%multiple_of3A] : memref<38535168xi32, #tpu.memory_space<hbm>> -> memref<50176xi32, #tpu.memory_space<hbm>>
    %dma_start3A_47 = tpu.memref_slice %arg19[%dma_start3A] : memref<2x!tpu.dma_semaphore, #tpu.memory_space<semaphore_mem>> -> memref<1x!tpu.dma_semaphore, #tpu.memory_space<semaphore_mem>>
    %dma_start3A_48 = tpu.memref_squeeze %dma_start3A_47 : memref<1x!tpu.dma_semaphore, #tpu.memory_space<semaphore_mem>> -> memref<!tpu.dma_semaphore, #tpu.memory_space<semaphore_mem>>
    %dma_start3A_49 = tpu.memref_slice %arg2[%multiple_of3A] : memref<38535168xi32, #tpu.memory_space<hbm>> -> memref<50176xi32, #tpu.memory_space<hbm>>
    tpu.enqueue_dma source(%dma_start3A_49 : memref<50176xi32, #tpu.memory_space<hbm>>) target(%arg7 : memref<50176xi32, #tpu.memory_space<vmem>>) target_semaphore(%dma_start3A_48 : memref<!tpu.dma_semaphore, #tpu.memory_space<semaphore_mem>>)
    %dma_start3A_50 = arith.constant 1 : i32
    %dma_start3A_51 = tpu.memref_slice %arg2[%multiple_of3A_45] : memref<38535168xi32, #tpu.memory_space<hbm>> -> memref<50176xi32, #tpu.memory_space<hbm>>
    %dma_start3A_52 = tpu.memref_slice %arg19[%dma_start3A_50] : memref<2x!tpu.dma_semaphore, #tpu.memory_space<semaphore_mem>> -> memref<1x!tpu.dma_semaphore, #tpu.memory_space<semaphore_mem>>
    %dma_start3A_53 = tpu.memref_squeeze %dma_start3A_52 : memref<1x!tpu.dma_semaphore, #tpu.memory_space<semaphore_mem>> -> memref<!tpu.dma_semaphore, #tpu.memory_space<semaphore_mem>>
    %dma_start3A_54 = tpu.memref_slice %arg2[%multiple_of3A_45] : memref<38535168xi32, #tpu.memory_space<hbm>> -> memref<50176xi32, #tpu.memory_space<hbm>>
    tpu.enqueue_dma source(%dma_start3A_54 : memref<50176xi32, #tpu.memory_space<hbm>>) target(%arg8 : memref<50176xi32, #tpu.memory_space<vmem>>) target_semaphore(%dma_start3A_53 : memref<!tpu.dma_semaphore, #tpu.memory_space<semaphore_mem>>)
    %mul3A_55 = arith.constant 50176 : i32
    %mul3A_56 = arith.muli %select_n3A, %mul3A_55 : i32
    %add3A_57 = arith.constant 0 : i32
    %add3A_58 = arith.addi %mul3A_56, %add3A_57 : i32
    %multiple_of3A_59 = tpu.assume_multiple %add3A_58, 8 : i32
    %dma_start3A_60 = arith.constant 0 : i32
    %dma_start3A_61 = tpu.memref_slice %arg3[%multiple_of3A_59] : memref<401408xi32, #tpu.memory_space<hbm>> -> memref<1792xi32, #tpu.memory_space<hbm>>
    %dma_start3A_62 = tpu.memref_slice %arg20[%dma_start3A_60] : memref<2x!tpu.dma_semaphore, #tpu.memory_space<semaphore_mem>> -> memref<1x!tpu.dma_semaphore, #tpu.memory_space<semaphore_mem>>
    %dma_start3A_63 = tpu.memref_squeeze %dma_start3A_62 : memref<1x!tpu.dma_semaphore, #tpu.memory_space<semaphore_mem>> -> memref<!tpu.dma_semaphore, #tpu.memory_space<semaphore_mem>>
    %dma_start3A_64 = tpu.memref_slice %arg3[%multiple_of3A_59] : memref<401408xi32, #tpu.memory_space<hbm>> -> memref<1792xi32, #tpu.memory_space<hbm>>
    tpu.enqueue_dma source(%dma_start3A_64 : memref<1792xi32, #tpu.memory_space<hbm>>) target(%arg9 : memref<1792xi32, #tpu.memory_space<vmem>>) target_semaphore(%dma_start3A_63 : memref<!tpu.dma_semaphore, #tpu.memory_space<semaphore_mem>>)
    %dma_start3A_65 = arith.constant 0 : i32
    %dma_start3A_66 = tpu.memref_slice %arg4[%multiple_of3A_59] : memref<401408xi32, #tpu.memory_space<hbm>> -> memref<1792xi32, #tpu.memory_space<hbm>>
    %dma_start3A_67 = tpu.memref_slice %arg20[%dma_start3A_65] : memref<2x!tpu.dma_semaphore, #tpu.memory_space<semaphore_mem>> -> memref<1x!tpu.dma_semaphore, #tpu.memory_space<semaphore_mem>>
    %dma_start3A_68 = tpu.memref_squeeze %dma_start3A_67 : memref<1x!tpu.dma_semaphore, #tpu.memory_space<semaphore_mem>> -> memref<!tpu.dma_semaphore, #tpu.memory_space<semaphore_mem>>
    %dma_start3A_69 = tpu.memref_slice %arg4[%multiple_of3A_59] : memref<401408xi32, #tpu.memory_space<hbm>> -> memref<1792xi32, #tpu.memory_space<hbm>>
    tpu.enqueue_dma source(%dma_start3A_69 : memref<1792xi32, #tpu.memory_space<hbm>>) target(%arg11 : memref<1792xi32, #tpu.memory_space<vmem>>) target_semaphore(%dma_start3A_68 : memref<!tpu.dma_semaphore, #tpu.memory_space<semaphore_mem>>)
    %dma_start3A_70 = arith.constant 0 : i32
    %dma_start3A_71 = tpu.memref_slice %arg5[%multiple_of3A_59] : memref<401408xi32, #tpu.memory_space<hbm>> -> memref<1792xi32, #tpu.memory_space<hbm>>
    %dma_start3A_72 = tpu.memref_slice %arg20[%dma_start3A_70] : memref<2x!tpu.dma_semaphore, #tpu.memory_space<semaphore_mem>> -> memref<1x!tpu.dma_semaphore, #tpu.memory_space<semaphore_mem>>
    %dma_start3A_73 = tpu.memref_squeeze %dma_start3A_72 : memref<1x!tpu.dma_semaphore, #tpu.memory_space<semaphore_mem>> -> memref<!tpu.dma_semaphore, #tpu.memory_space<semaphore_mem>>
    %dma_start3A_74 = tpu.memref_slice %arg5[%multiple_of3A_59] : memref<401408xi32, #tpu.memory_space<hbm>> -> memref<1792xi32, #tpu.memory_space<hbm>>
    tpu.enqueue_dma source(%dma_start3A_74 : memref<1792xi32, #tpu.memory_space<hbm>>) target(%arg13 : memref<1792xi32, #tpu.memory_space<vmem>>) target_semaphore(%dma_start3A_73 : memref<!tpu.dma_semaphore, #tpu.memory_space<semaphore_mem>>)
    %scan3A = arith.constant 0 : i32
    %scan3A_75 = arith.constant -65536 : i32
    %scan3A_76 = arith.constant 0 : i32
    %scan3A_77 = arith.constant 12 : i32
    %scan3A_78 = arith.addi %scan3A_76, %scan3A_77 : i32
    %scan3A_79 = arith.constant 1 : i32
    scf.for %scan3A_108 = %scan3A_76 to %scan3A_78 step %scan3A_79  : i32 {
      %mul3A_109 = arith.constant 2 : i32
      %mul3A_110 = arith.muli %scan3A_108, %mul3A_109 : i32
      %add3A_111 = arith.addi %mul3A_32, %mul3A_110 : i32
      %dma_wait3A_112 = arith.constant 0 : i32
      %dma_wait3A_113 = arith.constant 0 : i32
      %dma_wait3A_114 = tpu.memref_slice %arg2[%dma_wait3A_113] : memref<38535168xi32, #tpu.memory_space<hbm>> -> memref<50176xi32, #tpu.memory_space<hbm>>
      %dma_wait3A_115 = tpu.memref_slice %arg19[%dma_wait3A_112] : memref<2x!tpu.dma_semaphore, #tpu.memory_space<semaphore_mem>> -> memref<1x!tpu.dma_semaphore, #tpu.memory_space<semaphore_mem>>
      %dma_wait3A_116 = tpu.memref_squeeze %dma_wait3A_115 : memref<1x!tpu.dma_semaphore, #tpu.memory_space<semaphore_mem>> -> memref<!tpu.dma_semaphore, #tpu.memory_space<semaphore_mem>>
      %dma_wait3A_117 = arith.constant 0 : i32
      %dma_wait3A_118 = tpu.memref_slice %arg2[%dma_wait3A_117] : memref<38535168xi32, #tpu.memory_space<hbm>> -> memref<50176xi32, #tpu.memory_space<hbm>>
      tpu.wait_dma2 semaphore(%dma_wait3A_116 : memref<!tpu.dma_semaphore, #tpu.memory_space<semaphore_mem>>) src(%dma_wait3A_118 : memref<50176xi32, #tpu.memory_space<hbm>>) dst(%arg7 : memref<50176xi32, #tpu.memory_space<vmem>>)
      %dma_wait3A_119 = arith.constant 1 : i32
      %dma_wait3A_120 = arith.constant 0 : i32
      %dma_wait3A_121 = tpu.memref_slice %arg2[%dma_wait3A_120] : memref<38535168xi32, #tpu.memory_space<hbm>> -> memref<50176xi32, #tpu.memory_space<hbm>>
      %dma_wait3A_122 = tpu.memref_slice %arg19[%dma_wait3A_119] : memref<2x!tpu.dma_semaphore, #tpu.memory_space<semaphore_mem>> -> memref<1x!tpu.dma_semaphore, #tpu.memory_space<semaphore_mem>>
      %dma_wait3A_123 = tpu.memref_squeeze %dma_wait3A_122 : memref<1x!tpu.dma_semaphore, #tpu.memory_space<semaphore_mem>> -> memref<!tpu.dma_semaphore, #tpu.memory_space<semaphore_mem>>
      %dma_wait3A_124 = arith.constant 0 : i32
      %dma_wait3A_125 = tpu.memref_slice %arg2[%dma_wait3A_124] : memref<38535168xi32, #tpu.memory_space<hbm>> -> memref<50176xi32, #tpu.memory_space<hbm>>
      tpu.wait_dma2 semaphore(%dma_wait3A_123 : memref<!tpu.dma_semaphore, #tpu.memory_space<semaphore_mem>>) src(%dma_wait3A_125 : memref<50176xi32, #tpu.memory_space<hbm>>) dst(%arg8 : memref<50176xi32, #tpu.memory_space<vmem>>)
      %scan3A_126 = arith.constant 0 : i32
      %scan3A_127 = arith.constant 0 : i32
      %scan3A_128 = arith.constant 14 : i32
      %scan3A_129 = arith.addi %scan3A_127, %scan3A_128 : i32
      %scan3A_130 = arith.constant 1 : i32
      scf.for %scan3A_135 = %scan3A_127 to %scan3A_129 step %scan3A_130  : i32 {
        %mul3A_136 = arith.constant 2 : i32
        %mul3A_137 = arith.muli %scan3A_135, %mul3A_136 : i32
        %add3A_138 = arith.constant 0 : i32
        %add3A_139 = arith.addi %mul3A_137, %add3A_138 : i32
        %add3A_140 = arith.constant 1 : i32
        %add3A_141 = arith.addi %add3A_139, %add3A_140 : i32
        %lt3A_142 = arith.constant 28 : i32
        %lt3A_143 = arith.cmpi slt, %add3A_141, %lt3A_142 : i32
        %convert_element_type3A_144 = arith.extui %lt3A_143 : i1 to i32
        %cond3A_145 = arith.constant 0 : i32
        %cond3A_146 = arith.cmpi ne, %convert_element_type3A_144, %cond3A_145 : i32
        scf.if %cond3A_146 {
          %add3A_279 = arith.constant 1 : i32
          %add3A_280 = arith.addi %add3A_139, %add3A_279 : i32
          %mul3A_281 = arith.constant 50176 : i32
          %mul3A_282 = arith.muli %select_n3A, %mul3A_281 : i32
          %mul3A_283 = arith.constant 1792 : i32
          %mul3A_284 = arith.muli %add3A_280, %mul3A_283 : i32
          %add3A_285 = arith.addi %mul3A_282, %mul3A_284 : i32
          %multiple_of3A_286 = tpu.assume_multiple %add3A_285, 8 : i32
          %dma_start3A_287 = arith.constant 1 : i32
          %dma_start3A_288 = tpu.memref_slice %arg3[%multiple_of3A_286] : memref<401408xi32, #tpu.memory_space<hbm>> -> memref<1792xi32, #tpu.memory_space<hbm>>
          %dma_start3A_289 = tpu.memref_slice %arg20[%dma_start3A_287] : memref<2x!tpu.dma_semaphore, #tpu.memory_space<semaphore_mem>> -> memref<1x!tpu.dma_semaphore, #tpu.memory_space<semaphore_mem>>
          %dma_start3A_290 = tpu.memref_squeeze %dma_start3A_289 : memref<1x!tpu.dma_semaphore, #tpu.memory_space<semaphore_mem>> -> memref<!tpu.dma_semaphore, #tpu.memory_space<semaphore_mem>>
          %dma_start3A_291 = tpu.memref_slice %arg3[%multiple_of3A_286] : memref<401408xi32, #tpu.memory_space<hbm>> -> memref<1792xi32, #tpu.memory_space<hbm>>
          tpu.enqueue_dma source(%dma_start3A_291 : memref<1792xi32, #tpu.memory_space<hbm>>) target(%arg10 : memref<1792xi32, #tpu.memory_space<vmem>>) target_semaphore(%dma_start3A_290 : memref<!tpu.dma_semaphore, #tpu.memory_space<semaphore_mem>>)
          %dma_start3A_292 = arith.constant 1 : i32
          %dma_start3A_293 = tpu.memref_slice %arg4[%multiple_of3A_286] : memref<401408xi32, #tpu.memory_space<hbm>> -> memref<1792xi32, #tpu.memory_space<hbm>>
          %dma_start3A_294 = tpu.memref_slice %arg20[%dma_start3A_292] : memref<2x!tpu.dma_semaphore, #tpu.memory_space<semaphore_mem>> -> memref<1x!tpu.dma_semaphore, #tpu.memory_space<semaphore_mem>>
          %dma_start3A_295 = tpu.memref_squeeze %dma_start3A_294 : memref<1x!tpu.dma_semaphore, #tpu.memory_space<semaphore_mem>> -> memref<!tpu.dma_semaphore, #tpu.memory_space<semaphore_mem>>
          %dma_start3A_296 = tpu.memref_slice %arg4[%multiple_of3A_286] : memref<401408xi32, #tpu.memory_space<hbm>> -> memref<1792xi32, #tpu.memory_space<hbm>>
          tpu.enqueue_dma source(%dma_start3A_296 : memref<1792xi32, #tpu.memory_space<hbm>>) target(%arg12 : memref<1792xi32, #tpu.memory_space<vmem>>) target_semaphore(%dma_start3A_295 : memref<!tpu.dma_semaphore, #tpu.memory_space<semaphore_mem>>)
          %dma_start3A_297 = arith.constant 1 : i32
          %dma_start3A_298 = tpu.memref_slice %arg5[%multiple_of3A_286] : memref<401408xi32, #tpu.memory_space<hbm>> -> memref<1792xi32, #tpu.memory_space<hbm>>
          %dma_start3A_299 = tpu.memref_slice %arg20[%dma_start3A_297] : memref<2x!tpu.dma_semaphore, #tpu.memory_space<semaphore_mem>> -> memref<1x!tpu.dma_semaphore, #tpu.memory_space<semaphore_mem>>
          %dma_start3A_300 = tpu.memref_squeeze %dma_start3A_299 : memref<1x!tpu.dma_semaphore, #tpu.memory_space<semaphore_mem>> -> memref<!tpu.dma_semaphore, #tpu.memory_space<semaphore_mem>>
          %dma_start3A_301 = tpu.memref_slice %arg5[%multiple_of3A_286] : memref<401408xi32, #tpu.memory_space<hbm>> -> memref<1792xi32, #tpu.memory_space<hbm>>
          tpu.enqueue_dma source(%dma_start3A_301 : memref<1792xi32, #tpu.memory_space<hbm>>) target(%arg14 : memref<1792xi32, #tpu.memory_space<vmem>>) target_semaphore(%dma_start3A_300 : memref<!tpu.dma_semaphore, #tpu.memory_space<semaphore_mem>>)
        } else {
        }
        %dma_wait3A_147 = arith.constant 0 : i32
        %dma_wait3A_148 = arith.constant 0 : i32
        %dma_wait3A_149 = tpu.memref_slice %arg3[%dma_wait3A_148] : memref<401408xi32, #tpu.memory_space<hbm>> -> memref<1792xi32, #tpu.memory_space<hbm>>
        %dma_wait3A_150 = tpu.memref_slice %arg20[%dma_wait3A_147] : memref<2x!tpu.dma_semaphore, #tpu.memory_space<semaphore_mem>> -> memref<1x!tpu.dma_semaphore, #tpu.memory_space<semaphore_mem>>
        %dma_wait3A_151 = tpu.memref_squeeze %dma_wait3A_150 : memref<1x!tpu.dma_semaphore, #tpu.memory_space<semaphore_mem>> -> memref<!tpu.dma_semaphore, #tpu.memory_space<semaphore_mem>>
        %dma_wait3A_152 = arith.constant 0 : i32
        %dma_wait3A_153 = tpu.memref_slice %arg3[%dma_wait3A_152] : memref<401408xi32, #tpu.memory_space<hbm>> -> memref<1792xi32, #tpu.memory_space<hbm>>
        tpu.wait_dma2 semaphore(%dma_wait3A_151 : memref<!tpu.dma_semaphore, #tpu.memory_space<semaphore_mem>>) src(%dma_wait3A_153 : memref<1792xi32, #tpu.memory_space<hbm>>) dst(%arg9 : memref<1792xi32, #tpu.memory_space<vmem>>)
        %dma_wait3A_154 = arith.constant 0 : i32
        %dma_wait3A_155 = arith.constant 0 : i32
        %dma_wait3A_156 = tpu.memref_slice %arg4[%dma_wait3A_155] : memref<401408xi32, #tpu.memory_space<hbm>> -> memref<1792xi32, #tpu.memory_space<hbm>>
        %dma_wait3A_157 = tpu.memref_slice %arg20[%dma_wait3A_154] : memref<2x!tpu.dma_semaphore, #tpu.memory_space<semaphore_mem>> -> memref<1x!tpu.dma_semaphore, #tpu.memory_space<semaphore_mem>>
        %dma_wait3A_158 = tpu.memref_squeeze %dma_wait3A_157 : memref<1x!tpu.dma_semaphore, #tpu.memory_space<semaphore_mem>> -> memref<!tpu.dma_semaphore, #tpu.memory_space<semaphore_mem>>
        %dma_wait3A_159 = arith.constant 0 : i32
        %dma_wait3A_160 = tpu.memref_slice %arg4[%dma_wait3A_159] : memref<401408xi32, #tpu.memory_space<hbm>> -> memref<1792xi32, #tpu.memory_space<hbm>>
        tpu.wait_dma2 semaphore(%dma_wait3A_158 : memref<!tpu.dma_semaphore, #tpu.memory_space<semaphore_mem>>) src(%dma_wait3A_160 : memref<1792xi32, #tpu.memory_space<hbm>>) dst(%arg11 : memref<1792xi32, #tpu.memory_space<vmem>>)
        %dma_wait3A_161 = arith.constant 0 : i32
        %dma_wait3A_162 = arith.constant 0 : i32
        %dma_wait3A_163 = tpu.memref_slice %arg5[%dma_wait3A_162] : memref<401408xi32, #tpu.memory_space<hbm>> -> memref<1792xi32, #tpu.memory_space<hbm>>
        %dma_wait3A_164 = tpu.memref_slice %arg20[%dma_wait3A_161] : memref<2x!tpu.dma_semaphore, #tpu.memory_space<semaphore_mem>> -> memref<1x!tpu.dma_semaphore, #tpu.memory_space<semaphore_mem>>
        %dma_wait3A_165 = tpu.memref_squeeze %dma_wait3A_164 : memref<1x!tpu.dma_semaphore, #tpu.memory_space<semaphore_mem>> -> memref<!tpu.dma_semaphore, #tpu.memory_space<semaphore_mem>>
        %dma_wait3A_166 = arith.constant 0 : i32
        %dma_wait3A_167 = tpu.memref_slice %arg5[%dma_wait3A_166] : memref<401408xi32, #tpu.memory_space<hbm>> -> memref<1792xi32, #tpu.memory_space<hbm>>
        tpu.wait_dma2 semaphore(%dma_wait3A_165 : memref<!tpu.dma_semaphore, #tpu.memory_space<semaphore_mem>>) src(%dma_wait3A_167 : memref<1792xi32, #tpu.memory_space<hbm>>) dst(%arg13 : memref<1792xi32, #tpu.memory_space<vmem>>)
        %ge3A = arith.constant 2 : i32
        %ge3A_168 = arith.cmpi sge, %add3A_139, %ge3A : i32
        %ge3A_169 = arith.constant 1 : i32
        %ge3A_170 = arith.cmpi sge, %scan3A_108, %ge3A_169 : i32
        %or3A = arith.ori %ge3A_168, %ge3A_170 : i1
        %convert_element_type3A_171 = arith.extui %or3A : i1 to i32
        %cond3A_172 = arith.constant 0 : i32
        %cond3A_173 = arith.cmpi ne, %convert_element_type3A_171, %cond3A_172 : i32
        scf.if %cond3A_173 {
          %dma_wait3A_279 = arith.constant 0 : i32
          %dma_wait3A_280 = arith.constant 0 : i32
          %dma_wait3A_281 = tpu.memref_slice %arg6[%dma_wait3A_280] : memref<38535168xf32, #tpu.memory_space<hbm>> -> memref<1792xf32, #tpu.memory_space<hbm>>
          %dma_wait3A_282 = tpu.memref_slice %arg21[%dma_wait3A_279] : memref<2x!tpu.dma_semaphore, #tpu.memory_space<semaphore_mem>> -> memref<1x!tpu.dma_semaphore, #tpu.memory_space<semaphore_mem>>
          %dma_wait3A_283 = tpu.memref_squeeze %dma_wait3A_282 : memref<1x!tpu.dma_semaphore, #tpu.memory_space<semaphore_mem>> -> memref<!tpu.dma_semaphore, #tpu.memory_space<semaphore_mem>>
          %dma_wait3A_284 = arith.constant 0 : i32
          %dma_wait3A_285 = tpu.memref_slice %arg6[%dma_wait3A_284] : memref<38535168xf32, #tpu.memory_space<hbm>> -> memref<1792xf32, #tpu.memory_space<hbm>>
          tpu.wait_dma2 semaphore(%dma_wait3A_283 : memref<!tpu.dma_semaphore, #tpu.memory_space<semaphore_mem>>) src(%arg15 : memref<1792xf32, #tpu.memory_space<vmem>>) dst(%dma_wait3A_285 : memref<1792xf32, #tpu.memory_space<hbm>>)
          %dma_wait3A_286 = arith.constant 0 : i32
          %dma_wait3A_287 = arith.constant 0 : i32
          %dma_wait3A_288 = tpu.memref_slice %arg6[%dma_wait3A_287] : memref<38535168xf32, #tpu.memory_space<hbm>> -> memref<1792xf32, #tpu.memory_space<hbm>>
          %dma_wait3A_289 = tpu.memref_slice %arg21[%dma_wait3A_286] : memref<2x!tpu.dma_semaphore, #tpu.memory_space<semaphore_mem>> -> memref<1x!tpu.dma_semaphore, #tpu.memory_space<semaphore_mem>>
          %dma_wait3A_290 = tpu.memref_squeeze %dma_wait3A_289 : memref<1x!tpu.dma_semaphore, #tpu.memory_space<semaphore_mem>> -> memref<!tpu.dma_semaphore, #tpu.memory_space<semaphore_mem>>
          %dma_wait3A_291 = arith.constant 0 : i32
          %dma_wait3A_292 = tpu.memref_slice %arg6[%dma_wait3A_291] : memref<38535168xf32, #tpu.memory_space<hbm>> -> memref<1792xf32, #tpu.memory_space<hbm>>
          tpu.wait_dma2 semaphore(%dma_wait3A_290 : memref<!tpu.dma_semaphore, #tpu.memory_space<semaphore_mem>>) src(%arg17 : memref<1792xf32, #tpu.memory_space<vmem>>) dst(%dma_wait3A_292 : memref<1792xf32, #tpu.memory_space<hbm>>)
        } else {
        }
        %parallel_loop3A = arith.constant 0 : i32
        %parallel_loop3A_174 = arith.constant 112 : i32
        %parallel_loop3A_175 = arith.constant 1 : i32
        scf.for %parallel_loop3A_279 = %parallel_loop3A to %parallel_loop3A_174 step %parallel_loop3A_175  : i32 {
          %parallel_loop3A_280 = arith.constant 16 : i32
          %parallel_loop3A_281 = arith.muli %parallel_loop3A_279, %parallel_loop3A_280 : i32
          %parallel_loop3A_282 = arith.index_cast %parallel_loop3A_281 : i32 to index
          %parallel_loop3A_283 = tpu.vector_load %arg11[%parallel_loop3A_282] {strides = array<i32>} : memref<1792xi32, #tpu.memory_space<vmem>>, vector<16xi32>,
          %parallel_loop3A_284 = arith.index_cast %parallel_loop3A_281 : i32 to index
          %parallel_loop3A_285 = tpu.vector_load %arg13[%parallel_loop3A_284] {strides = array<i32>} : memref<1792xi32, #tpu.memory_space<vmem>>, vector<16xi32>,
          %parallel_loop3A_286 = arith.ori %parallel_loop3A_283, %parallel_loop3A_285 : vector<16xi32>
          %parallel_loop3A_287 = arith.constant 0 : i32
          %parallel_loop3A_288 = vector.broadcast %parallel_loop3A_287 : i32 to vector<16xi32>
          %parallel_loop3A_289 = arith.cmpi ne, %parallel_loop3A_286, %parallel_loop3A_288 : vector<16xi32>
          %parallel_loop3A_290 = arith.constant 1.000000e+00 : f32
          %parallel_loop3A_291 = arith.constant 0.000000e+00 : f32
          %parallel_loop3A_292 = vector.broadcast %parallel_loop3A_290 : f32 to vector<16xf32>
          %parallel_loop3A_293 = vector.broadcast %parallel_loop3A_291 : f32 to vector<16xf32>
          %parallel_loop3A_294 = arith.select %parallel_loop3A_289, %parallel_loop3A_292, %parallel_loop3A_293 : vector<16xi1>, vector<16xf32>
          %parallel_loop3A_295 = arith.constant true
          %parallel_loop3A_296 = vector.broadcast %parallel_loop3A_295 : i1 to vector<16xi1>
          %parallel_loop3A_297 = tpu.scan <max>, %parallel_loop3A_294 masked %parallel_loop3A_296 : vector<16xf32>, vector<16xi1> -> vector<16xf32>
          %parallel_loop3A_298 = vector.extract %parallel_loop3A_297[15] : f32 from vector<16xf32>
          %parallel_loop3A_299 = arith.constant 0.000000e+00 : f32
          %parallel_loop3A_300 = arith.cmpf ogt, %parallel_loop3A_298, %parallel_loop3A_299 : f32
          %parallel_loop3A_301 = arith.extui %parallel_loop3A_300 : i1 to i32
          %parallel_loop3A_302 = arith.constant 0 : i32
          %parallel_loop3A_303 = arith.cmpi ne, %parallel_loop3A_301, %parallel_loop3A_302 : i32
          scf.if %parallel_loop3A_303 {
            %parallel_loop3A_309 = arith.index_cast %parallel_loop3A_281 : i32 to index
            %parallel_loop3A_310 = tpu.vector_load %arg9[%parallel_loop3A_309] {strides = array<i32>} : memref<1792xi32, #tpu.memory_space<vmem>>, vector<16xi32>,
            %parallel_loop3A_311 = arith.constant 65535 : i32
            %parallel_loop3A_312 = vector.broadcast %parallel_loop3A_311 : i32 to vector<16xi32>
            %parallel_loop3A_313 = arith.andi %parallel_loop3A_310, %parallel_loop3A_312 : vector<16xi32>
            %parallel_loop3A_314 = arith.constant 16 : i32
            %parallel_loop3A_315 = vector.broadcast %parallel_loop3A_314 : i32 to vector<16xi32>
            %parallel_loop3A_316 = arith.shrsi %parallel_loop3A_310, %parallel_loop3A_315 : vector<16xi32>
            %parallel_loop3A_317 = arith.constant 65535 : i32
            %parallel_loop3A_318 = vector.broadcast %parallel_loop3A_317 : i32 to vector<16xi32>
            %parallel_loop3A_319 = arith.andi %parallel_loop3A_316, %parallel_loop3A_318 : vector<16xi32>
            %parallel_loop3A_320 = vector.broadcast %scan3A_75 : i32 to vector<16xi32>
            %parallel_loop3A_321 = arith.andi %parallel_loop3A_283, %parallel_loop3A_320 : vector<16xi32>
            %parallel_loop3A_322 = vector.bitcast %parallel_loop3A_321 : vector<16xi32> to vector<16xf32>
            %parallel_loop3A_323 = arith.constant 16 : i32
            %parallel_loop3A_324 = vector.broadcast %parallel_loop3A_323 : i32 to vector<16xi32>
            %parallel_loop3A_325 = arith.shli %parallel_loop3A_283, %parallel_loop3A_324 : vector<16xi32>
            %parallel_loop3A_326 = vector.bitcast %parallel_loop3A_325 : vector<16xi32> to vector<16xf32>
            %parallel_loop3A_327 = vector.broadcast %scan3A_75 : i32 to vector<16xi32>
            %parallel_loop3A_328 = arith.andi %parallel_loop3A_285, %parallel_loop3A_327 : vector<16xi32>
            %parallel_loop3A_329 = vector.bitcast %parallel_loop3A_328 : vector<16xi32> to vector<16xf32>
            %parallel_loop3A_330 = arith.constant 16 : i32
            %parallel_loop3A_331 = vector.broadcast %parallel_loop3A_330 : i32 to vector<16xi32>
            %parallel_loop3A_332 = arith.shli %parallel_loop3A_285, %parallel_loop3A_331 : vector<16xi32>
            %parallel_loop3A_333 = vector.bitcast %parallel_loop3A_332 : vector<16xi32> to vector<16xf32>
            %parallel_loop3A_334 = tpu.vector_load_idx %arg7[%parallel_loop3A_313] : memref<50176xi32, #tpu.memory_space<vmem>>[vector<16xi32>], vector<16xi32>,
            %parallel_loop3A_335 = tpu.vector_load_idx %arg7[%parallel_loop3A_319] : memref<50176xi32, #tpu.memory_space<vmem>>[vector<16xi32>], vector<16xi32>,
            %parallel_loop3A_336 = vector.broadcast %scan3A_75 : i32 to vector<16xi32>
            %parallel_loop3A_337 = arith.andi %parallel_loop3A_334, %parallel_loop3A_336 : vector<16xi32>
            %parallel_loop3A_338 = vector.bitcast %parallel_loop3A_337 : vector<16xi32> to vector<16xf32>
            %parallel_loop3A_339 = arith.constant 16 : i32
            %parallel_loop3A_340 = vector.broadcast %parallel_loop3A_339 : i32 to vector<16xi32>
            %parallel_loop3A_341 = arith.shli %parallel_loop3A_334, %parallel_loop3A_340 : vector<16xi32>
            %parallel_loop3A_342 = vector.bitcast %parallel_loop3A_341 : vector<16xi32> to vector<16xf32>
            %parallel_loop3A_343 = vector.broadcast %scan3A_75 : i32 to vector<16xi32>
            %parallel_loop3A_344 = arith.andi %parallel_loop3A_335, %parallel_loop3A_343 : vector<16xi32>
            %parallel_loop3A_345 = vector.bitcast %parallel_loop3A_344 : vector<16xi32> to vector<16xf32>
            %parallel_loop3A_346 = arith.constant 16 : i32
            %parallel_loop3A_347 = vector.broadcast %parallel_loop3A_346 : i32 to vector<16xi32>
            %parallel_loop3A_348 = arith.shli %parallel_loop3A_335, %parallel_loop3A_347 : vector<16xi32>
            %parallel_loop3A_349 = vector.bitcast %parallel_loop3A_348 : vector<16xi32> to vector<16xf32>
            %parallel_loop3A_350 = arith.mulf %parallel_loop3A_322, %parallel_loop3A_338 : vector<16xf32>
            %parallel_loop3A_351 = arith.mulf %parallel_loop3A_326, %parallel_loop3A_345 : vector<16xf32>
            %parallel_loop3A_352 = arith.addf %parallel_loop3A_350, %parallel_loop3A_351 : vector<16xf32>
            %parallel_loop3A_353 = arith.mulf %parallel_loop3A_329, %parallel_loop3A_342 : vector<16xf32>
            %parallel_loop3A_354 = arith.mulf %parallel_loop3A_333, %parallel_loop3A_349 : vector<16xf32>
            %parallel_loop3A_355 = arith.addf %parallel_loop3A_353, %parallel_loop3A_354 : vector<16xf32>
            %parallel_loop3A_356 = arith.addf %parallel_loop3A_352, %parallel_loop3A_355 : vector<16xf32>
            %parallel_loop3A_357 = arith.index_cast %parallel_loop3A_281 : i32 to index
            %parallel_loop3A_358 = tpu.vector_load %arg15[%parallel_loop3A_357] {strides = array<i32>} : memref<1792xf32, #tpu.memory_space<vmem>>, vector<16xf32>,
            tpu.vector_store %arg15[%parallel_loop3A_357], %parallel_loop3A_356 {strides = array<i32>} : memref<1792xf32, #tpu.memory_space<vmem>>, vector<16xf32>,
            %parallel_loop3A_359 = tpu.vector_load_idx %arg8[%parallel_loop3A_313] : memref<50176xi32, #tpu.memory_space<vmem>>[vector<16xi32>], vector<16xi32>,
            %parallel_loop3A_360 = tpu.vector_load_idx %arg8[%parallel_loop3A_319] : memref<50176xi32, #tpu.memory_space<vmem>>[vector<16xi32>], vector<16xi32>,
            %parallel_loop3A_361 = vector.broadcast %scan3A_75 : i32 to vector<16xi32>
            %parallel_loop3A_362 = arith.andi %parallel_loop3A_359, %parallel_loop3A_361 : vector<16xi32>
            %parallel_loop3A_363 = vector.bitcast %parallel_loop3A_362 : vector<16xi32> to vector<16xf32>
            %parallel_loop3A_364 = arith.constant 16 : i32
            %parallel_loop3A_365 = vector.broadcast %parallel_loop3A_364 : i32 to vector<16xi32>
            %parallel_loop3A_366 = arith.shli %parallel_loop3A_359, %parallel_loop3A_365 : vector<16xi32>
            %parallel_loop3A_367 = vector.bitcast %parallel_loop3A_366 : vector<16xi32> to vector<16xf32>
            %parallel_loop3A_368 = vector.broadcast %scan3A_75 : i32 to vector<16xi32>
            %parallel_loop3A_369 = arith.andi %parallel_loop3A_360, %parallel_loop3A_368 : vector<16xi32>
            %parallel_loop3A_370 = vector.bitcast %parallel_loop3A_369 : vector<16xi32> to vector<16xf32>
            %parallel_loop3A_371 = arith.constant 16 : i32
            %parallel_loop3A_372 = vector.broadcast %parallel_loop3A_371 : i32 to vector<16xi32>
            %parallel_loop3A_373 = arith.shli %parallel_loop3A_360, %parallel_loop3A_372 : vector<16xi32>
            %parallel_loop3A_374 = vector.bitcast %parallel_loop3A_373 : vector<16xi32> to vector<16xf32>
            %parallel_loop3A_375 = arith.mulf %parallel_loop3A_322, %parallel_loop3A_363 : vector<16xf32>
            %parallel_loop3A_376 = arith.mulf %parallel_loop3A_326, %parallel_loop3A_370 : vector<16xf32>
            %parallel_loop3A_377 = arith.addf %parallel_loop3A_375, %parallel_loop3A_376 : vector<16xf32>
            %parallel_loop3A_378 = arith.mulf %parallel_loop3A_329, %parallel_loop3A_367 : vector<16xf32>
            %parallel_loop3A_379 = arith.mulf %parallel_loop3A_333, %parallel_loop3A_374 : vector<16xf32>
            %parallel_loop3A_380 = arith.addf %parallel_loop3A_378, %parallel_loop3A_379 : vector<16xf32>
            %parallel_loop3A_381 = arith.addf %parallel_loop3A_377, %parallel_loop3A_380 : vector<16xf32>
            %parallel_loop3A_382 = arith.index_cast %parallel_loop3A_281 : i32 to index
            %parallel_loop3A_383 = tpu.vector_load %arg17[%parallel_loop3A_382] {strides = array<i32>} : memref<1792xf32, #tpu.memory_space<vmem>>, vector<16xf32>,
            tpu.vector_store %arg17[%parallel_loop3A_382], %parallel_loop3A_381 {strides = array<i32>} : memref<1792xf32, #tpu.memory_space<vmem>>, vector<16xf32>,
          } else {
          }
          %parallel_loop3A_304 = arith.constant true
          %parallel_loop3A_305 = arith.xori %parallel_loop3A_300, %parallel_loop3A_304 : i1
          %parallel_loop3A_306 = arith.extui %parallel_loop3A_305 : i1 to i32
          %parallel_loop3A_307 = arith.constant 0 : i32
          %parallel_loop3A_308 = arith.cmpi ne, %parallel_loop3A_306, %parallel_loop3A_307 : i32
          scf.if %parallel_loop3A_308 {
            %parallel_loop3A_309 = arith.constant 0.000000e+00 : f32
            %parallel_loop3A_310 = vector.broadcast %parallel_loop3A_309 : f32 to vector<16xf32>
            %parallel_loop3A_311 = arith.index_cast %parallel_loop3A_281 : i32 to index
            %parallel_loop3A_312 = tpu.vector_load %arg15[%parallel_loop3A_311] {strides = array<i32>} : memref<1792xf32, #tpu.memory_space<vmem>>, vector<16xf32>,
            tpu.vector_store %arg15[%parallel_loop3A_311], %parallel_loop3A_310 {strides = array<i32>} : memref<1792xf32, #tpu.memory_space<vmem>>, vector<16xf32>,
            %parallel_loop3A_313 = arith.index_cast %parallel_loop3A_281 : i32 to index
            %parallel_loop3A_314 = tpu.vector_load %arg17[%parallel_loop3A_313] {strides = array<i32>} : memref<1792xf32, #tpu.memory_space<vmem>>, vector<16xf32>,
            tpu.vector_store %arg17[%parallel_loop3A_313], %parallel_loop3A_310 {strides = array<i32>} : memref<1792xf32, #tpu.memory_space<vmem>>, vector<16xf32>,
          } else {
          }
        } {sc.loop_unroll_factor = 1 : i64, sc.parallel_access}
        %mul3A_176 = arith.constant 96 : i32
        %mul3A_177 = arith.muli %select_n3A, %mul3A_176 : i32
        %add3A_178 = arith.addi %mul3A_177, %add3A_111 : i32
        %mul3A_179 = arith.constant 50176 : i32
        %mul3A_180 = arith.muli %add3A_178, %mul3A_179 : i32
        %mul3A_181 = arith.constant 1792 : i32
        %mul3A_182 = arith.muli %add3A_139, %mul3A_181 : i32
        %add3A_183 = arith.addi %mul3A_180, %mul3A_182 : i32
        %multiple_of3A_184 = tpu.assume_multiple %add3A_183, 8 : i32
        %mul3A_185 = arith.constant 96 : i32
        %mul3A_186 = arith.muli %select_n3A, %mul3A_185 : i32
        %add3A_187 = arith.addi %mul3A_186, %add3A_111 : i32
        %add3A_188 = arith.constant 1 : i32
        %add3A_189 = arith.addi %add3A_187, %add3A_188 : i32
        %mul3A_190 = arith.constant 50176 : i32
        %mul3A_191 = arith.muli %add3A_189, %mul3A_190 : i32
        %mul3A_192 = arith.constant 1792 : i32
        %mul3A_193 = arith.muli %add3A_139, %mul3A_192 : i32
        %add3A_194 = arith.addi %mul3A_191, %mul3A_193 : i32
        %multiple_of3A_195 = tpu.assume_multiple %add3A_194, 8 : i32
        %dma_start3A_196 = arith.constant 0 : i32
        %dma_start3A_197 = tpu.memref_slice %arg6[%multiple_of3A_184] : memref<38535168xf32, #tpu.memory_space<hbm>> -> memref<1792xf32, #tpu.memory_space<hbm>>
        %dma_start3A_198 = tpu.memref_slice %arg21[%dma_start3A_196] : memref<2x!tpu.dma_semaphore, #tpu.memory_space<semaphore_mem>> -> memref<1x!tpu.dma_semaphore, #tpu.memory_space<semaphore_mem>>
        %dma_start3A_199 = tpu.memref_squeeze %dma_start3A_198 : memref<1x!tpu.dma_semaphore, #tpu.memory_space<semaphore_mem>> -> memref<!tpu.dma_semaphore, #tpu.memory_space<semaphore_mem>>
        %dma_start3A_200 = tpu.memref_slice %arg6[%multiple_of3A_184] : memref<38535168xf32, #tpu.memory_space<hbm>> -> memref<1792xf32, #tpu.memory_space<hbm>>
        tpu.enqueue_dma source(%arg15 : memref<1792xf32, #tpu.memory_space<vmem>>) target(%dma_start3A_200 : memref<1792xf32, #tpu.memory_space<hbm>>) target_semaphore(%dma_start3A_199 : memref<!tpu.dma_semaphore, #tpu.memory_space<semaphore_mem>>)
        %dma_start3A_201 = arith.constant 0 : i32
        %dma_start3A_202 = tpu.memref_slice %arg6[%multiple_of3A_195] : memref<38535168xf32, #tpu.memory_space<hbm>> -> memref<1792xf32, #tpu.memory_space<hbm>>
        %dma_start3A_203 = tpu.memref_slice %arg21[%dma_start3A_201] : memref<2x!tpu.dma_semaphore, #tpu.memory_space<semaphore_mem>> -> memref<1x!tpu.dma_semaphore, #tpu.memory_space<semaphore_mem>>
        %dma_start3A_204 = tpu.memref_squeeze %dma_start3A_203 : memref<1x!tpu.dma_semaphore, #tpu.memory_space<semaphore_mem>> -> memref<!tpu.dma_semaphore, #tpu.memory_space<semaphore_mem>>
        %dma_start3A_205 = tpu.memref_slice %arg6[%multiple_of3A_195] : memref<38535168xf32, #tpu.memory_space<hbm>> -> memref<1792xf32, #tpu.memory_space<hbm>>
        tpu.enqueue_dma source(%arg17 : memref<1792xf32, #tpu.memory_space<vmem>>) target(%dma_start3A_205 : memref<1792xf32, #tpu.memory_space<hbm>>) target_semaphore(%dma_start3A_204 : memref<!tpu.dma_semaphore, #tpu.memory_space<semaphore_mem>>)
        %mul3A_206 = arith.constant 2 : i32
        %mul3A_207 = arith.muli %scan3A_135, %mul3A_206 : i32
        %add3A_208 = arith.constant 1 : i32
        %add3A_209 = arith.addi %mul3A_207, %add3A_208 : i32
        %add3A_210 = arith.constant 1 : i32
        %add3A_211 = arith.addi %add3A_209, %add3A_210 : i32
        %lt3A_212 = arith.constant 28 : i32
        %lt3A_213 = arith.cmpi slt, %add3A_211, %lt3A_212 : i32
        %convert_element_type3A_214 = arith.extui %lt3A_213 : i1 to i32
        %cond3A_215 = arith.constant 0 : i32
        %cond3A_216 = arith.cmpi ne, %convert_element_type3A_214, %cond3A_215 : i32
        scf.if %cond3A_216 {
          %add3A_279 = arith.constant 1 : i32
          %add3A_280 = arith.addi %add3A_209, %add3A_279 : i32
          %mul3A_281 = arith.constant 50176 : i32
          %mul3A_282 = arith.muli %select_n3A, %mul3A_281 : i32
          %mul3A_283 = arith.constant 1792 : i32
          %mul3A_284 = arith.muli %add3A_280, %mul3A_283 : i32
          %add3A_285 = arith.addi %mul3A_282, %mul3A_284 : i32
          %multiple_of3A_286 = tpu.assume_multiple %add3A_285, 8 : i32
          %dma_start3A_287 = arith.constant 0 : i32
          %dma_start3A_288 = tpu.memref_slice %arg3[%multiple_of3A_286] : memref<401408xi32, #tpu.memory_space<hbm>> -> memref<1792xi32, #tpu.memory_space<hbm>>
          %dma_start3A_289 = tpu.memref_slice %arg20[%dma_start3A_287] : memref<2x!tpu.dma_semaphore, #tpu.memory_space<semaphore_mem>> -> memref<1x!tpu.dma_semaphore, #tpu.memory_space<semaphore_mem>>
          %dma_start3A_290 = tpu.memref_squeeze %dma_start3A_289 : memref<1x!tpu.dma_semaphore, #tpu.memory_space<semaphore_mem>> -> memref<!tpu.dma_semaphore, #tpu.memory_space<semaphore_mem>>
          %dma_start3A_291 = tpu.memref_slice %arg3[%multiple_of3A_286] : memref<401408xi32, #tpu.memory_space<hbm>> -> memref<1792xi32, #tpu.memory_space<hbm>>
          tpu.enqueue_dma source(%dma_start3A_291 : memref<1792xi32, #tpu.memory_space<hbm>>) target(%arg9 : memref<1792xi32, #tpu.memory_space<vmem>>) target_semaphore(%dma_start3A_290 : memref<!tpu.dma_semaphore, #tpu.memory_space<semaphore_mem>>)
          %dma_start3A_292 = arith.constant 0 : i32
          %dma_start3A_293 = tpu.memref_slice %arg4[%multiple_of3A_286] : memref<401408xi32, #tpu.memory_space<hbm>> -> memref<1792xi32, #tpu.memory_space<hbm>>
          %dma_start3A_294 = tpu.memref_slice %arg20[%dma_start3A_292] : memref<2x!tpu.dma_semaphore, #tpu.memory_space<semaphore_mem>> -> memref<1x!tpu.dma_semaphore, #tpu.memory_space<semaphore_mem>>
          %dma_start3A_295 = tpu.memref_squeeze %dma_start3A_294 : memref<1x!tpu.dma_semaphore, #tpu.memory_space<semaphore_mem>> -> memref<!tpu.dma_semaphore, #tpu.memory_space<semaphore_mem>>
          %dma_start3A_296 = tpu.memref_slice %arg4[%multiple_of3A_286] : memref<401408xi32, #tpu.memory_space<hbm>> -> memref<1792xi32, #tpu.memory_space<hbm>>
          tpu.enqueue_dma source(%dma_start3A_296 : memref<1792xi32, #tpu.memory_space<hbm>>) target(%arg11 : memref<1792xi32, #tpu.memory_space<vmem>>) target_semaphore(%dma_start3A_295 : memref<!tpu.dma_semaphore, #tpu.memory_space<semaphore_mem>>)
          %dma_start3A_297 = arith.constant 0 : i32
          %dma_start3A_298 = tpu.memref_slice %arg5[%multiple_of3A_286] : memref<401408xi32, #tpu.memory_space<hbm>> -> memref<1792xi32, #tpu.memory_space<hbm>>
          %dma_start3A_299 = tpu.memref_slice %arg20[%dma_start3A_297] : memref<2x!tpu.dma_semaphore, #tpu.memory_space<semaphore_mem>> -> memref<1x!tpu.dma_semaphore, #tpu.memory_space<semaphore_mem>>
          %dma_start3A_300 = tpu.memref_squeeze %dma_start3A_299 : memref<1x!tpu.dma_semaphore, #tpu.memory_space<semaphore_mem>> -> memref<!tpu.dma_semaphore, #tpu.memory_space<semaphore_mem>>
          %dma_start3A_301 = tpu.memref_slice %arg5[%multiple_of3A_286] : memref<401408xi32, #tpu.memory_space<hbm>> -> memref<1792xi32, #tpu.memory_space<hbm>>
          tpu.enqueue_dma source(%dma_start3A_301 : memref<1792xi32, #tpu.memory_space<hbm>>) target(%arg13 : memref<1792xi32, #tpu.memory_space<vmem>>) target_semaphore(%dma_start3A_300 : memref<!tpu.dma_semaphore, #tpu.memory_space<semaphore_mem>>)
        } else {
        }
        %dma_wait3A_217 = arith.constant 1 : i32
        %dma_wait3A_218 = arith.constant 0 : i32
        %dma_wait3A_219 = tpu.memref_slice %arg3[%dma_wait3A_218] : memref<401408xi32, #tpu.memory_space<hbm>> -> memref<1792xi32, #tpu.memory_space<hbm>>
        %dma_wait3A_220 = tpu.memref_slice %arg20[%dma_wait3A_217] : memref<2x!tpu.dma_semaphore, #tpu.memory_space<semaphore_mem>> -> memref<1x!tpu.dma_semaphore, #tpu.memory_space<semaphore_mem>>
        %dma_wait3A_221 = tpu.memref_squeeze %dma_wait3A_220 : memref<1x!tpu.dma_semaphore, #tpu.memory_space<semaphore_mem>> -> memref<!tpu.dma_semaphore, #tpu.memory_space<semaphore_mem>>
        %dma_wait3A_222 = arith.constant 0 : i32
        %dma_wait3A_223 = tpu.memref_slice %arg3[%dma_wait3A_222] : memref<401408xi32, #tpu.memory_space<hbm>> -> memref<1792xi32, #tpu.memory_space<hbm>>
        tpu.wait_dma2 semaphore(%dma_wait3A_221 : memref<!tpu.dma_semaphore, #tpu.memory_space<semaphore_mem>>) src(%dma_wait3A_223 : memref<1792xi32, #tpu.memory_space<hbm>>) dst(%arg10 : memref<1792xi32, #tpu.memory_space<vmem>>)
        %dma_wait3A_224 = arith.constant 1 : i32
        %dma_wait3A_225 = arith.constant 0 : i32
        %dma_wait3A_226 = tpu.memref_slice %arg4[%dma_wait3A_225] : memref<401408xi32, #tpu.memory_space<hbm>> -> memref<1792xi32, #tpu.memory_space<hbm>>
        %dma_wait3A_227 = tpu.memref_slice %arg20[%dma_wait3A_224] : memref<2x!tpu.dma_semaphore, #tpu.memory_space<semaphore_mem>> -> memref<1x!tpu.dma_semaphore, #tpu.memory_space<semaphore_mem>>
        %dma_wait3A_228 = tpu.memref_squeeze %dma_wait3A_227 : memref<1x!tpu.dma_semaphore, #tpu.memory_space<semaphore_mem>> -> memref<!tpu.dma_semaphore, #tpu.memory_space<semaphore_mem>>
        %dma_wait3A_229 = arith.constant 0 : i32
        %dma_wait3A_230 = tpu.memref_slice %arg4[%dma_wait3A_229] : memref<401408xi32, #tpu.memory_space<hbm>> -> memref<1792xi32, #tpu.memory_space<hbm>>
        tpu.wait_dma2 semaphore(%dma_wait3A_228 : memref<!tpu.dma_semaphore, #tpu.memory_space<semaphore_mem>>) src(%dma_wait3A_230 : memref<1792xi32, #tpu.memory_space<hbm>>) dst(%arg12 : memref<1792xi32, #tpu.memory_space<vmem>>)
        %dma_wait3A_231 = arith.constant 1 : i32
        %dma_wait3A_232 = arith.constant 0 : i32
        %dma_wait3A_233 = tpu.memref_slice %arg5[%dma_wait3A_232] : memref<401408xi32, #tpu.memory_space<hbm>> -> memref<1792xi32, #tpu.memory_space<hbm>>
        %dma_wait3A_234 = tpu.memref_slice %arg20[%dma_wait3A_231] : memref<2x!tpu.dma_semaphore, #tpu.memory_space<semaphore_mem>> -> memref<1x!tpu.dma_semaphore, #tpu.memory_space<semaphore_mem>>
        %dma_wait3A_235 = tpu.memref_squeeze %dma_wait3A_234 : memref<1x!tpu.dma_semaphore, #tpu.memory_space<semaphore_mem>> -> memref<!tpu.dma_semaphore, #tpu.memory_space<semaphore_mem>>
        %dma_wait3A_236 = arith.constant 0 : i32
        %dma_wait3A_237 = tpu.memref_slice %arg5[%dma_wait3A_236] : memref<401408xi32, #tpu.memory_space<hbm>> -> memref<1792xi32, #tpu.memory_space<hbm>>
        tpu.wait_dma2 semaphore(%dma_wait3A_235 : memref<!tpu.dma_semaphore, #tpu.memory_space<semaphore_mem>>) src(%dma_wait3A_237 : memref<1792xi32, #tpu.memory_space<hbm>>) dst(%arg14 : memref<1792xi32, #tpu.memory_space<vmem>>)
        %ge3A_238 = arith.constant 2 : i32
        %ge3A_239 = arith.cmpi sge, %add3A_209, %ge3A_238 : i32
        %ge3A_240 = arith.constant 1 : i32
        %ge3A_241 = arith.cmpi sge, %scan3A_108, %ge3A_240 : i32
        %or3A_242 = arith.ori %ge3A_239, %ge3A_241 : i1
        %convert_element_type3A_243 = arith.extui %or3A_242 : i1 to i32
        %cond3A_244 = arith.constant 0 : i32
        %cond3A_245 = arith.cmpi ne, %convert_element_type3A_243, %cond3A_244 : i32
        scf.if %cond3A_245 {
          %dma_wait3A_279 = arith.constant 1 : i32
          %dma_wait3A_280 = arith.constant 0 : i32
          %dma_wait3A_281 = tpu.memref_slice %arg6[%dma_wait3A_280] : memref<38535168xf32, #tpu.memory_space<hbm>> -> memref<1792xf32, #tpu.memory_space<hbm>>
          %dma_wait3A_282 = tpu.memref_slice %arg21[%dma_wait3A_279] : memref<2x!tpu.dma_semaphore, #tpu.memory_space<semaphore_mem>> -> memref<1x!tpu.dma_semaphore, #tpu.memory_space<semaphore_mem>>
          %dma_wait3A_283 = tpu.memref_squeeze %dma_wait3A_282 : memref<1x!tpu.dma_semaphore, #tpu.memory_space<semaphore_mem>> -> memref<!tpu.dma_semaphore, #tpu.memory_space<semaphore_mem>>
          %dma_wait3A_284 = arith.constant 0 : i32
          %dma_wait3A_285 = tpu.memref_slice %arg6[%dma_wait3A_284] : memref<38535168xf32, #tpu.memory_space<hbm>> -> memref<1792xf32, #tpu.memory_space<hbm>>
          tpu.wait_dma2 semaphore(%dma_wait3A_283 : memref<!tpu.dma_semaphore, #tpu.memory_space<semaphore_mem>>) src(%arg16 : memref<1792xf32, #tpu.memory_space<vmem>>) dst(%dma_wait3A_285 : memref<1792xf32, #tpu.memory_space<hbm>>)
          %dma_wait3A_286 = arith.constant 1 : i32
          %dma_wait3A_287 = arith.constant 0 : i32
          %dma_wait3A_288 = tpu.memref_slice %arg6[%dma_wait3A_287] : memref<38535168xf32, #tpu.memory_space<hbm>> -> memref<1792xf32, #tpu.memory_space<hbm>>
          %dma_wait3A_289 = tpu.memref_slice %arg21[%dma_wait3A_286] : memref<2x!tpu.dma_semaphore, #tpu.memory_space<semaphore_mem>> -> memref<1x!tpu.dma_semaphore, #tpu.memory_space<semaphore_mem>>
          %dma_wait3A_290 = tpu.memref_squeeze %dma_wait3A_289 : memref<1x!tpu.dma_semaphore, #tpu.memory_space<semaphore_mem>> -> memref<!tpu.dma_semaphore, #tpu.memory_space<semaphore_mem>>
          %dma_wait3A_291 = arith.constant 0 : i32
          %dma_wait3A_292 = tpu.memref_slice %arg6[%dma_wait3A_291] : memref<38535168xf32, #tpu.memory_space<hbm>> -> memref<1792xf32, #tpu.memory_space<hbm>>
          tpu.wait_dma2 semaphore(%dma_wait3A_290 : memref<!tpu.dma_semaphore, #tpu.memory_space<semaphore_mem>>) src(%arg18 : memref<1792xf32, #tpu.memory_space<vmem>>) dst(%dma_wait3A_292 : memref<1792xf32, #tpu.memory_space<hbm>>)
        } else {
        }
        %parallel_loop3A_246 = arith.constant 0 : i32
        %parallel_loop3A_247 = arith.constant 112 : i32
        %parallel_loop3A_248 = arith.constant 1 : i32
        scf.for %parallel_loop3A_279 = %parallel_loop3A_246 to %parallel_loop3A_247 step %parallel_loop3A_248  : i32 {
          %parallel_loop3A_280 = arith.constant 16 : i32
          %parallel_loop3A_281 = arith.muli %parallel_loop3A_279, %parallel_loop3A_280 : i32
          %parallel_loop3A_282 = arith.index_cast %parallel_loop3A_281 : i32 to index
          %parallel_loop3A_283 = tpu.vector_load %arg12[%parallel_loop3A_282] {strides = array<i32>} : memref<1792xi32, #tpu.memory_space<vmem>>, vector<16xi32>,
          %parallel_loop3A_284 = arith.index_cast %parallel_loop3A_281 : i32 to index
          %parallel_loop3A_285 = tpu.vector_load %arg14[%parallel_loop3A_284] {strides = array<i32>} : memref<1792xi32, #tpu.memory_space<vmem>>, vector<16xi32>,
          %parallel_loop3A_286 = arith.ori %parallel_loop3A_283, %parallel_loop3A_285 : vector<16xi32>
          %parallel_loop3A_287 = arith.constant 0 : i32
          %parallel_loop3A_288 = vector.broadcast %parallel_loop3A_287 : i32 to vector<16xi32>
          %parallel_loop3A_289 = arith.cmpi ne, %parallel_loop3A_286, %parallel_loop3A_288 : vector<16xi32>
          %parallel_loop3A_290 = arith.constant 1.000000e+00 : f32
          %parallel_loop3A_291 = arith.constant 0.000000e+00 : f32
          %parallel_loop3A_292 = vector.broadcast %parallel_loop3A_290 : f32 to vector<16xf32>
          %parallel_loop3A_293 = vector.broadcast %parallel_loop3A_291 : f32 to vector<16xf32>
          %parallel_loop3A_294 = arith.select %parallel_loop3A_289, %parallel_loop3A_292, %parallel_loop3A_293 : vector<16xi1>, vector<16xf32>
          %parallel_loop3A_295 = arith.constant true
          %parallel_loop3A_296 = vector.broadcast %parallel_loop3A_295 : i1 to vector<16xi1>
          %parallel_loop3A_297 = tpu.scan <max>, %parallel_loop3A_294 masked %parallel_loop3A_296 : vector<16xf32>, vector<16xi1> -> vector<16xf32>
          %parallel_loop3A_298 = vector.extract %parallel_loop3A_297[15] : f32 from vector<16xf32>
          %parallel_loop3A_299 = arith.constant 0.000000e+00 : f32
          %parallel_loop3A_300 = arith.cmpf ogt, %parallel_loop3A_298, %parallel_loop3A_299 : f32
          %parallel_loop3A_301 = arith.extui %parallel_loop3A_300 : i1 to i32
          %parallel_loop3A_302 = arith.constant 0 : i32
          %parallel_loop3A_303 = arith.cmpi ne, %parallel_loop3A_301, %parallel_loop3A_302 : i32
          scf.if %parallel_loop3A_303 {
            %parallel_loop3A_309 = arith.index_cast %parallel_loop3A_281 : i32 to index
            %parallel_loop3A_310 = tpu.vector_load %arg10[%parallel_loop3A_309] {strides = array<i32>} : memref<1792xi32, #tpu.memory_space<vmem>>, vector<16xi32>,
            %parallel_loop3A_311 = arith.constant 65535 : i32
            %parallel_loop3A_312 = vector.broadcast %parallel_loop3A_311 : i32 to vector<16xi32>
            %parallel_loop3A_313 = arith.andi %parallel_loop3A_310, %parallel_loop3A_312 : vector<16xi32>
            %parallel_loop3A_314 = arith.constant 16 : i32
            %parallel_loop3A_315 = vector.broadcast %parallel_loop3A_314 : i32 to vector<16xi32>
            %parallel_loop3A_316 = arith.shrsi %parallel_loop3A_310, %parallel_loop3A_315 : vector<16xi32>
            %parallel_loop3A_317 = arith.constant 65535 : i32
            %parallel_loop3A_318 = vector.broadcast %parallel_loop3A_317 : i32 to vector<16xi32>
            %parallel_loop3A_319 = arith.andi %parallel_loop3A_316, %parallel_loop3A_318 : vector<16xi32>
            %parallel_loop3A_320 = vector.broadcast %scan3A_75 : i32 to vector<16xi32>
            %parallel_loop3A_321 = arith.andi %parallel_loop3A_283, %parallel_loop3A_320 : vector<16xi32>
            %parallel_loop3A_322 = vector.bitcast %parallel_loop3A_321 : vector<16xi32> to vector<16xf32>
            %parallel_loop3A_323 = arith.constant 16 : i32
            %parallel_loop3A_324 = vector.broadcast %parallel_loop3A_323 : i32 to vector<16xi32>
            %parallel_loop3A_325 = arith.shli %parallel_loop3A_283, %parallel_loop3A_324 : vector<16xi32>
            %parallel_loop3A_326 = vector.bitcast %parallel_loop3A_325 : vector<16xi32> to vector<16xf32>
            %parallel_loop3A_327 = vector.broadcast %scan3A_75 : i32 to vector<16xi32>
            %parallel_loop3A_328 = arith.andi %parallel_loop3A_285, %parallel_loop3A_327 : vector<16xi32>
            %parallel_loop3A_329 = vector.bitcast %parallel_loop3A_328 : vector<16xi32> to vector<16xf32>
            %parallel_loop3A_330 = arith.constant 16 : i32
            %parallel_loop3A_331 = vector.broadcast %parallel_loop3A_330 : i32 to vector<16xi32>
            %parallel_loop3A_332 = arith.shli %parallel_loop3A_285, %parallel_loop3A_331 : vector<16xi32>
            %parallel_loop3A_333 = vector.bitcast %parallel_loop3A_332 : vector<16xi32> to vector<16xf32>
            %parallel_loop3A_334 = tpu.vector_load_idx %arg7[%parallel_loop3A_313] : memref<50176xi32, #tpu.memory_space<vmem>>[vector<16xi32>], vector<16xi32>,
            %parallel_loop3A_335 = tpu.vector_load_idx %arg7[%parallel_loop3A_319] : memref<50176xi32, #tpu.memory_space<vmem>>[vector<16xi32>], vector<16xi32>,
            %parallel_loop3A_336 = vector.broadcast %scan3A_75 : i32 to vector<16xi32>
            %parallel_loop3A_337 = arith.andi %parallel_loop3A_334, %parallel_loop3A_336 : vector<16xi32>
            %parallel_loop3A_338 = vector.bitcast %parallel_loop3A_337 : vector<16xi32> to vector<16xf32>
            %parallel_loop3A_339 = arith.constant 16 : i32
            %parallel_loop3A_340 = vector.broadcast %parallel_loop3A_339 : i32 to vector<16xi32>
            %parallel_loop3A_341 = arith.shli %parallel_loop3A_334, %parallel_loop3A_340 : vector<16xi32>
            %parallel_loop3A_342 = vector.bitcast %parallel_loop3A_341 : vector<16xi32> to vector<16xf32>
            %parallel_loop3A_343 = vector.broadcast %scan3A_75 : i32 to vector<16xi32>
            %parallel_loop3A_344 = arith.andi %parallel_loop3A_335, %parallel_loop3A_343 : vector<16xi32>
            %parallel_loop3A_345 = vector.bitcast %parallel_loop3A_344 : vector<16xi32> to vector<16xf32>
            %parallel_loop3A_346 = arith.constant 16 : i32
            %parallel_loop3A_347 = vector.broadcast %parallel_loop3A_346 : i32 to vector<16xi32>
            %parallel_loop3A_348 = arith.shli %parallel_loop3A_335, %parallel_loop3A_347 : vector<16xi32>
            %parallel_loop3A_349 = vector.bitcast %parallel_loop3A_348 : vector<16xi32> to vector<16xf32>
            %parallel_loop3A_350 = arith.mulf %parallel_loop3A_322, %parallel_loop3A_338 : vector<16xf32>
            %parallel_loop3A_351 = arith.mulf %parallel_loop3A_326, %parallel_loop3A_345 : vector<16xf32>
            %parallel_loop3A_352 = arith.addf %parallel_loop3A_350, %parallel_loop3A_351 : vector<16xf32>
            %parallel_loop3A_353 = arith.mulf %parallel_loop3A_329, %parallel_loop3A_342 : vector<16xf32>
            %parallel_loop3A_354 = arith.mulf %parallel_loop3A_333, %parallel_loop3A_349 : vector<16xf32>
            %parallel_loop3A_355 = arith.addf %parallel_loop3A_353, %parallel_loop3A_354 : vector<16xf32>
            %parallel_loop3A_356 = arith.addf %parallel_loop3A_352, %parallel_loop3A_355 : vector<16xf32>
            %parallel_loop3A_357 = arith.index_cast %parallel_loop3A_281 : i32 to index
            %parallel_loop3A_358 = tpu.vector_load %arg16[%parallel_loop3A_357] {strides = array<i32>} : memref<1792xf32, #tpu.memory_space<vmem>>, vector<16xf32>,
            tpu.vector_store %arg16[%parallel_loop3A_357], %parallel_loop3A_356 {strides = array<i32>} : memref<1792xf32, #tpu.memory_space<vmem>>, vector<16xf32>,
            %parallel_loop3A_359 = tpu.vector_load_idx %arg8[%parallel_loop3A_313] : memref<50176xi32, #tpu.memory_space<vmem>>[vector<16xi32>], vector<16xi32>,
            %parallel_loop3A_360 = tpu.vector_load_idx %arg8[%parallel_loop3A_319] : memref<50176xi32, #tpu.memory_space<vmem>>[vector<16xi32>], vector<16xi32>,
            %parallel_loop3A_361 = vector.broadcast %scan3A_75 : i32 to vector<16xi32>
            %parallel_loop3A_362 = arith.andi %parallel_loop3A_359, %parallel_loop3A_361 : vector<16xi32>
            %parallel_loop3A_363 = vector.bitcast %parallel_loop3A_362 : vector<16xi32> to vector<16xf32>
            %parallel_loop3A_364 = arith.constant 16 : i32
            %parallel_loop3A_365 = vector.broadcast %parallel_loop3A_364 : i32 to vector<16xi32>
            %parallel_loop3A_366 = arith.shli %parallel_loop3A_359, %parallel_loop3A_365 : vector<16xi32>
            %parallel_loop3A_367 = vector.bitcast %parallel_loop3A_366 : vector<16xi32> to vector<16xf32>
            %parallel_loop3A_368 = vector.broadcast %scan3A_75 : i32 to vector<16xi32>
            %parallel_loop3A_369 = arith.andi %parallel_loop3A_360, %parallel_loop3A_368 : vector<16xi32>
            %parallel_loop3A_370 = vector.bitcast %parallel_loop3A_369 : vector<16xi32> to vector<16xf32>
            %parallel_loop3A_371 = arith.constant 16 : i32
            %parallel_loop3A_372 = vector.broadcast %parallel_loop3A_371 : i32 to vector<16xi32>
            %parallel_loop3A_373 = arith.shli %parallel_loop3A_360, %parallel_loop3A_372 : vector<16xi32>
            %parallel_loop3A_374 = vector.bitcast %parallel_loop3A_373 : vector<16xi32> to vector<16xf32>
            %parallel_loop3A_375 = arith.mulf %parallel_loop3A_322, %parallel_loop3A_363 : vector<16xf32>
            %parallel_loop3A_376 = arith.mulf %parallel_loop3A_326, %parallel_loop3A_370 : vector<16xf32>
            %parallel_loop3A_377 = arith.addf %parallel_loop3A_375, %parallel_loop3A_376 : vector<16xf32>
            %parallel_loop3A_378 = arith.mulf %parallel_loop3A_329, %parallel_loop3A_367 : vector<16xf32>
            %parallel_loop3A_379 = arith.mulf %parallel_loop3A_333, %parallel_loop3A_374 : vector<16xf32>
            %parallel_loop3A_380 = arith.addf %parallel_loop3A_378, %parallel_loop3A_379 : vector<16xf32>
            %parallel_loop3A_381 = arith.addf %parallel_loop3A_377, %parallel_loop3A_380 : vector<16xf32>
            %parallel_loop3A_382 = arith.index_cast %parallel_loop3A_281 : i32 to index
            %parallel_loop3A_383 = tpu.vector_load %arg18[%parallel_loop3A_382] {strides = array<i32>} : memref<1792xf32, #tpu.memory_space<vmem>>, vector<16xf32>,
            tpu.vector_store %arg18[%parallel_loop3A_382], %parallel_loop3A_381 {strides = array<i32>} : memref<1792xf32, #tpu.memory_space<vmem>>, vector<16xf32>,
          } else {
          }
          %parallel_loop3A_304 = arith.constant true
          %parallel_loop3A_305 = arith.xori %parallel_loop3A_300, %parallel_loop3A_304 : i1
          %parallel_loop3A_306 = arith.extui %parallel_loop3A_305 : i1 to i32
          %parallel_loop3A_307 = arith.constant 0 : i32
          %parallel_loop3A_308 = arith.cmpi ne, %parallel_loop3A_306, %parallel_loop3A_307 : i32
          scf.if %parallel_loop3A_308 {
            %parallel_loop3A_309 = arith.constant 0.000000e+00 : f32
            %parallel_loop3A_310 = vector.broadcast %parallel_loop3A_309 : f32 to vector<16xf32>
            %parallel_loop3A_311 = arith.index_cast %parallel_loop3A_281 : i32 to index
            %parallel_loop3A_312 = tpu.vector_load %arg16[%parallel_loop3A_311] {strides = array<i32>} : memref<1792xf32, #tpu.memory_space<vmem>>, vector<16xf32>,
            tpu.vector_store %arg16[%parallel_loop3A_311], %parallel_loop3A_310 {strides = array<i32>} : memref<1792xf32, #tpu.memory_space<vmem>>, vector<16xf32>,
            %parallel_loop3A_313 = arith.index_cast %parallel_loop3A_281 : i32 to index
            %parallel_loop3A_314 = tpu.vector_load %arg18[%parallel_loop3A_313] {strides = array<i32>} : memref<1792xf32, #tpu.memory_space<vmem>>, vector<16xf32>,
            tpu.vector_store %arg18[%parallel_loop3A_313], %parallel_loop3A_310 {strides = array<i32>} : memref<1792xf32, #tpu.memory_space<vmem>>, vector<16xf32>,
          } else {
          }
        } {sc.loop_unroll_factor = 1 : i64, sc.parallel_access}
        %mul3A_249 = arith.constant 96 : i32
        %mul3A_250 = arith.muli %select_n3A, %mul3A_249 : i32
        %add3A_251 = arith.addi %mul3A_250, %add3A_111 : i32
        %mul3A_252 = arith.constant 50176 : i32
        %mul3A_253 = arith.muli %add3A_251, %mul3A_252 : i32
        %mul3A_254 = arith.constant 1792 : i32
        %mul3A_255 = arith.muli %add3A_209, %mul3A_254 : i32
        %add3A_256 = arith.addi %mul3A_253, %mul3A_255 : i32
        %multiple_of3A_257 = tpu.assume_multiple %add3A_256, 8 : i32
        %mul3A_258 = arith.constant 96 : i32
        %mul3A_259 = arith.muli %select_n3A, %mul3A_258 : i32
        %add3A_260 = arith.addi %mul3A_259, %add3A_111 : i32
        %add3A_261 = arith.constant 1 : i32
        %add3A_262 = arith.addi %add3A_260, %add3A_261 : i32
        %mul3A_263 = arith.constant 50176 : i32
        %mul3A_264 = arith.muli %add3A_262, %mul3A_263 : i32
        %mul3A_265 = arith.constant 1792 : i32
        %mul3A_266 = arith.muli %add3A_209, %mul3A_265 : i32
        %add3A_267 = arith.addi %mul3A_264, %mul3A_266 : i32
        %multiple_of3A_268 = tpu.assume_multiple %add3A_267, 8 : i32
        %dma_start3A_269 = arith.constant 1 : i32
        %dma_start3A_270 = tpu.memref_slice %arg6[%multiple_of3A_257] : memref<38535168xf32, #tpu.memory_space<hbm>> -> memref<1792xf32, #tpu.memory_space<hbm>>
        %dma_start3A_271 = tpu.memref_slice %arg21[%dma_start3A_269] : memref<2x!tpu.dma_semaphore, #tpu.memory_space<semaphore_mem>> -> memref<1x!tpu.dma_semaphore, #tpu.memory_space<semaphore_mem>>
        %dma_start3A_272 = tpu.memref_squeeze %dma_start3A_271 : memref<1x!tpu.dma_semaphore, #tpu.memory_space<semaphore_mem>> -> memref<!tpu.dma_semaphore, #tpu.memory_space<semaphore_mem>>
        %dma_start3A_273 = tpu.memref_slice %arg6[%multiple_of3A_257] : memref<38535168xf32, #tpu.memory_space<hbm>> -> memref<1792xf32, #tpu.memory_space<hbm>>
        tpu.enqueue_dma source(%arg16 : memref<1792xf32, #tpu.memory_space<vmem>>) target(%dma_start3A_273 : memref<1792xf32, #tpu.memory_space<hbm>>) target_semaphore(%dma_start3A_272 : memref<!tpu.dma_semaphore, #tpu.memory_space<semaphore_mem>>)
        %dma_start3A_274 = arith.constant 1 : i32
        %dma_start3A_275 = tpu.memref_slice %arg6[%multiple_of3A_268] : memref<38535168xf32, #tpu.memory_space<hbm>> -> memref<1792xf32, #tpu.memory_space<hbm>>
        %dma_start3A_276 = tpu.memref_slice %arg21[%dma_start3A_274] : memref<2x!tpu.dma_semaphore, #tpu.memory_space<semaphore_mem>> -> memref<1x!tpu.dma_semaphore, #tpu.memory_space<semaphore_mem>>
        %dma_start3A_277 = tpu.memref_squeeze %dma_start3A_276 : memref<1x!tpu.dma_semaphore, #tpu.memory_space<semaphore_mem>> -> memref<!tpu.dma_semaphore, #tpu.memory_space<semaphore_mem>>
        %dma_start3A_278 = tpu.memref_slice %arg6[%multiple_of3A_268] : memref<38535168xf32, #tpu.memory_space<hbm>> -> memref<1792xf32, #tpu.memory_space<hbm>>
        tpu.enqueue_dma source(%arg18 : memref<1792xf32, #tpu.memory_space<vmem>>) target(%dma_start3A_278 : memref<1792xf32, #tpu.memory_space<hbm>>) target_semaphore(%dma_start3A_277 : memref<!tpu.dma_semaphore, #tpu.memory_space<semaphore_mem>>)
      }
      %scan3A_131 = arith.constant 14 : i32
      %lt3A_132 = arith.constant 11 : i32
      %lt3A_133 = arith.cmpi slt, %scan3A_108, %lt3A_132 : i32
      %convert_element_type3A = arith.extui %lt3A_133 : i1 to i32
      %cond3A = arith.constant 0 : i32
      %cond3A_134 = arith.cmpi ne, %convert_element_type3A, %cond3A : i32
      scf.if %cond3A_134 {
        %mul3A_135 = arith.constant 50176 : i32
        %mul3A_136 = arith.muli %select_n3A, %mul3A_135 : i32
        %add3A_137 = arith.constant 0 : i32
        %add3A_138 = arith.addi %mul3A_136, %add3A_137 : i32
        %multiple_of3A_139 = tpu.assume_multiple %add3A_138, 8 : i32
        %dma_start3A_140 = arith.constant 0 : i32
        %dma_start3A_141 = tpu.memref_slice %arg3[%multiple_of3A_139] : memref<401408xi32, #tpu.memory_space<hbm>> -> memref<1792xi32, #tpu.memory_space<hbm>>
        %dma_start3A_142 = tpu.memref_slice %arg20[%dma_start3A_140] : memref<2x!tpu.dma_semaphore, #tpu.memory_space<semaphore_mem>> -> memref<1x!tpu.dma_semaphore, #tpu.memory_space<semaphore_mem>>
        %dma_start3A_143 = tpu.memref_squeeze %dma_start3A_142 : memref<1x!tpu.dma_semaphore, #tpu.memory_space<semaphore_mem>> -> memref<!tpu.dma_semaphore, #tpu.memory_space<semaphore_mem>>
        %dma_start3A_144 = tpu.memref_slice %arg3[%multiple_of3A_139] : memref<401408xi32, #tpu.memory_space<hbm>> -> memref<1792xi32, #tpu.memory_space<hbm>>
        tpu.enqueue_dma source(%dma_start3A_144 : memref<1792xi32, #tpu.memory_space<hbm>>) target(%arg9 : memref<1792xi32, #tpu.memory_space<vmem>>) target_semaphore(%dma_start3A_143 : memref<!tpu.dma_semaphore, #tpu.memory_space<semaphore_mem>>)
        %dma_start3A_145 = arith.constant 0 : i32
        %dma_start3A_146 = tpu.memref_slice %arg4[%multiple_of3A_139] : memref<401408xi32, #tpu.memory_space<hbm>> -> memref<1792xi32, #tpu.memory_space<hbm>>
        %dma_start3A_147 = tpu.memref_slice %arg20[%dma_start3A_145] : memref<2x!tpu.dma_semaphore, #tpu.memory_space<semaphore_mem>> -> memref<1x!tpu.dma_semaphore, #tpu.memory_space<semaphore_mem>>
        %dma_start3A_148 = tpu.memref_squeeze %dma_start3A_147 : memref<1x!tpu.dma_semaphore, #tpu.memory_space<semaphore_mem>> -> memref<!tpu.dma_semaphore, #tpu.memory_space<semaphore_mem>>
        %dma_start3A_149 = tpu.memref_slice %arg4[%multiple_of3A_139] : memref<401408xi32, #tpu.memory_space<hbm>> -> memref<1792xi32, #tpu.memory_space<hbm>>
        tpu.enqueue_dma source(%dma_start3A_149 : memref<1792xi32, #tpu.memory_space<hbm>>) target(%arg11 : memref<1792xi32, #tpu.memory_space<vmem>>) target_semaphore(%dma_start3A_148 : memref<!tpu.dma_semaphore, #tpu.memory_space<semaphore_mem>>)
        %dma_start3A_150 = arith.constant 0 : i32
        %dma_start3A_151 = tpu.memref_slice %arg5[%multiple_of3A_139] : memref<401408xi32, #tpu.memory_space<hbm>> -> memref<1792xi32, #tpu.memory_space<hbm>>
        %dma_start3A_152 = tpu.memref_slice %arg20[%dma_start3A_150] : memref<2x!tpu.dma_semaphore, #tpu.memory_space<semaphore_mem>> -> memref<1x!tpu.dma_semaphore, #tpu.memory_space<semaphore_mem>>
        %dma_start3A_153 = tpu.memref_squeeze %dma_start3A_152 : memref<1x!tpu.dma_semaphore, #tpu.memory_space<semaphore_mem>> -> memref<!tpu.dma_semaphore, #tpu.memory_space<semaphore_mem>>
        %dma_start3A_154 = tpu.memref_slice %arg5[%multiple_of3A_139] : memref<401408xi32, #tpu.memory_space<hbm>> -> memref<1792xi32, #tpu.memory_space<hbm>>
        tpu.enqueue_dma source(%dma_start3A_154 : memref<1792xi32, #tpu.memory_space<hbm>>) target(%arg13 : memref<1792xi32, #tpu.memory_space<vmem>>) target_semaphore(%dma_start3A_153 : memref<!tpu.dma_semaphore, #tpu.memory_space<semaphore_mem>>)
        %add3A_155 = arith.constant 2 : i32
        %add3A_156 = arith.addi %add3A_111, %add3A_155 : i32
        %mul3A_157 = arith.constant 96 : i32
        %mul3A_158 = arith.muli %select_n3A, %mul3A_157 : i32
        %add3A_159 = arith.addi %mul3A_158, %add3A_156 : i32
        %mul3A_160 = arith.constant 50176 : i32
        %mul3A_161 = arith.muli %add3A_159, %mul3A_160 : i32
        %multiple_of3A_162 = tpu.assume_multiple %mul3A_161, 8 : i32
        %mul3A_163 = arith.constant 96 : i32
        %mul3A_164 = arith.muli %select_n3A, %mul3A_163 : i32
        %add3A_165 = arith.addi %mul3A_164, %add3A_156 : i32
        %add3A_166 = arith.constant 1 : i32
        %add3A_167 = arith.addi %add3A_165, %add3A_166 : i32
        %mul3A_168 = arith.constant 50176 : i32
        %mul3A_169 = arith.muli %add3A_167, %mul3A_168 : i32
        %multiple_of3A_170 = tpu.assume_multiple %mul3A_169, 8 : i32
        %dma_start3A_171 = arith.constant 0 : i32
        %dma_start3A_172 = tpu.memref_slice %arg2[%multiple_of3A_162] : memref<38535168xi32, #tpu.memory_space<hbm>> -> memref<50176xi32, #tpu.memory_space<hbm>>
        %dma_start3A_173 = tpu.memref_slice %arg19[%dma_start3A_171] : memref<2x!tpu.dma_semaphore, #tpu.memory_space<semaphore_mem>> -> memref<1x!tpu.dma_semaphore, #tpu.memory_space<semaphore_mem>>
        %dma_start3A_174 = tpu.memref_squeeze %dma_start3A_173 : memref<1x!tpu.dma_semaphore, #tpu.memory_space<semaphore_mem>> -> memref<!tpu.dma_semaphore, #tpu.memory_space<semaphore_mem>>
        %dma_start3A_175 = tpu.memref_slice %arg2[%multiple_of3A_162] : memref<38535168xi32, #tpu.memory_space<hbm>> -> memref<50176xi32, #tpu.memory_space<hbm>>
        tpu.enqueue_dma source(%dma_start3A_175 : memref<50176xi32, #tpu.memory_space<hbm>>) target(%arg7 : memref<50176xi32, #tpu.memory_space<vmem>>) target_semaphore(%dma_start3A_174 : memref<!tpu.dma_semaphore, #tpu.memory_space<semaphore_mem>>)
        %dma_start3A_176 = arith.constant 1 : i32
        %dma_start3A_177 = tpu.memref_slice %arg2[%multiple_of3A_170] : memref<38535168xi32, #tpu.memory_space<hbm>> -> memref<50176xi32, #tpu.memory_space<hbm>>
        %dma_start3A_178 = tpu.memref_slice %arg19[%dma_start3A_176] : memref<2x!tpu.dma_semaphore, #tpu.memory_space<semaphore_mem>> -> memref<1x!tpu.dma_semaphore, #tpu.memory_space<semaphore_mem>>
        %dma_start3A_179 = tpu.memref_squeeze %dma_start3A_178 : memref<1x!tpu.dma_semaphore, #tpu.memory_space<semaphore_mem>> -> memref<!tpu.dma_semaphore, #tpu.memory_space<semaphore_mem>>
        %dma_start3A_180 = tpu.memref_slice %arg2[%multiple_of3A_170] : memref<38535168xi32, #tpu.memory_space<hbm>> -> memref<50176xi32, #tpu.memory_space<hbm>>
        tpu.enqueue_dma source(%dma_start3A_180 : memref<50176xi32, #tpu.memory_space<hbm>>) target(%arg8 : memref<50176xi32, #tpu.memory_space<vmem>>) target_semaphore(%dma_start3A_179 : memref<!tpu.dma_semaphore, #tpu.memory_space<semaphore_mem>>)
      } else {
      }
    }
    %scan3A_80 = arith.constant 12 : i32
    %dma_wait3A = arith.constant 0 : i32
    %dma_wait3A_81 = arith.constant 0 : i32
    %dma_wait3A_82 = tpu.memref_slice %arg6[%dma_wait3A_81] : memref<38535168xf32, #tpu.memory_space<hbm>> -> memref<1792xf32, #tpu.memory_space<hbm>>
    %dma_wait3A_83 = tpu.memref_slice %arg21[%dma_wait3A] : memref<2x!tpu.dma_semaphore, #tpu.memory_space<semaphore_mem>> -> memref<1x!tpu.dma_semaphore, #tpu.memory_space<semaphore_mem>>
    %dma_wait3A_84 = tpu.memref_squeeze %dma_wait3A_83 : memref<1x!tpu.dma_semaphore, #tpu.memory_space<semaphore_mem>> -> memref<!tpu.dma_semaphore, #tpu.memory_space<semaphore_mem>>
    %dma_wait3A_85 = arith.constant 0 : i32
    %dma_wait3A_86 = tpu.memref_slice %arg6[%dma_wait3A_85] : memref<38535168xf32, #tpu.memory_space<hbm>> -> memref<1792xf32, #tpu.memory_space<hbm>>
    tpu.wait_dma2 semaphore(%dma_wait3A_84 : memref<!tpu.dma_semaphore, #tpu.memory_space<semaphore_mem>>) src(%arg15 : memref<1792xf32, #tpu.memory_space<vmem>>) dst(%dma_wait3A_86 : memref<1792xf32, #tpu.memory_space<hbm>>)
    %dma_wait3A_87 = arith.constant 0 : i32
    %dma_wait3A_88 = arith.constant 0 : i32
    %dma_wait3A_89 = tpu.memref_slice %arg6[%dma_wait3A_88] : memref<38535168xf32, #tpu.memory_space<hbm>> -> memref<1792xf32, #tpu.memory_space<hbm>>
    %dma_wait3A_90 = tpu.memref_slice %arg21[%dma_wait3A_87] : memref<2x!tpu.dma_semaphore, #tpu.memory_space<semaphore_mem>> -> memref<1x!tpu.dma_semaphore, #tpu.memory_space<semaphore_mem>>
    %dma_wait3A_91 = tpu.memref_squeeze %dma_wait3A_90 : memref<1x!tpu.dma_semaphore, #tpu.memory_space<semaphore_mem>> -> memref<!tpu.dma_semaphore, #tpu.memory_space<semaphore_mem>>
    %dma_wait3A_92 = arith.constant 0 : i32
    %dma_wait3A_93 = tpu.memref_slice %arg6[%dma_wait3A_92] : memref<38535168xf32, #tpu.memory_space<hbm>> -> memref<1792xf32, #tpu.memory_space<hbm>>
    tpu.wait_dma2 semaphore(%dma_wait3A_91 : memref<!tpu.dma_semaphore, #tpu.memory_space<semaphore_mem>>) src(%arg17 : memref<1792xf32, #tpu.memory_space<vmem>>) dst(%dma_wait3A_93 : memref<1792xf32, #tpu.memory_space<hbm>>)
    %dma_wait3A_94 = arith.constant 1 : i32
    %dma_wait3A_95 = arith.constant 0 : i32
    %dma_wait3A_96 = tpu.memref_slice %arg6[%dma_wait3A_95] : memref<38535168xf32, #tpu.memory_space<hbm>> -> memref<1792xf32, #tpu.memory_space<hbm>>
    %dma_wait3A_97 = tpu.memref_slice %arg21[%dma_wait3A_94] : memref<2x!tpu.dma_semaphore, #tpu.memory_space<semaphore_mem>> -> memref<1x!tpu.dma_semaphore, #tpu.memory_space<semaphore_mem>>
    %dma_wait3A_98 = tpu.memref_squeeze %dma_wait3A_97 : memref<1x!tpu.dma_semaphore, #tpu.memory_space<semaphore_mem>> -> memref<!tpu.dma_semaphore, #tpu.memory_space<semaphore_mem>>
    %dma_wait3A_99 = arith.constant 0 : i32
    %dma_wait3A_100 = tpu.memref_slice %arg6[%dma_wait3A_99] : memref<38535168xf32, #tpu.memory_space<hbm>> -> memref<1792xf32, #tpu.memory_space<hbm>>
    tpu.wait_dma2 semaphore(%dma_wait3A_98 : memref<!tpu.dma_semaphore, #tpu.memory_space<semaphore_mem>>) src(%arg16 : memref<1792xf32, #tpu.memory_space<vmem>>) dst(%dma_wait3A_100 : memref<1792xf32, #tpu.memory_space<hbm>>)
    %dma_wait3A_101 = arith.constant 1 : i32
    %dma_wait3A_102 = arith.constant 0 : i32
    %dma_wait3A_103 = tpu.memref_slice %arg6[%dma_wait3A_102] : memref<38535168xf32, #tpu.memory_space<hbm>> -> memref<1792xf32, #tpu.memory_space<hbm>>
    %dma_wait3A_104 = tpu.memref_slice %arg21[%dma_wait3A_101] : memref<2x!tpu.dma_semaphore, #tpu.memory_space<semaphore_mem>> -> memref<1x!tpu.dma_semaphore, #tpu.memory_space<semaphore_mem>>
    %dma_wait3A_105 = tpu.memref_squeeze %dma_wait3A_104 : memref<1x!tpu.dma_semaphore, #tpu.memory_space<semaphore_mem>> -> memref<!tpu.dma_semaphore, #tpu.memory_space<semaphore_mem>>
    %dma_wait3A_106 = arith.constant 0 : i32
    %dma_wait3A_107 = tpu.memref_slice %arg6[%dma_wait3A_106] : memref<38535168xf32, #tpu.memory_space<hbm>> -> memref<1792xf32, #tpu.memory_space<hbm>>
    tpu.wait_dma2 semaphore(%dma_wait3A_105 : memref<!tpu.dma_semaphore, #tpu.memory_space<semaphore_mem>>) src(%arg18 : memref<1792xf32, #tpu.memory_space<vmem>>) dst(%dma_wait3A_107 : memref<1792xf32, #tpu.memory_space<hbm>>)
    return
  }
}

module attributes {stable_mosaic.version = 14 : i64} {
  func.func @_tc_pairs_body(%arg0: i32, %arg1: memref<16x392x128xf32, #tpu.memory_space<vmem>>, %arg2: memref<16x392x128xi32, #tpu.memory_space<vmem>>) attributes {dimension_semantics = [#tpu.dimension_semantics<arbitrary>], iteration_bounds = array<i64: 48>, scalar_prefetch = 0 : i64, scratch_operands = 0 : i64, tpu.core_type = #tpu.core_type<tc>, window_params = [{transform_indices = @transform_0, window_bounds = array<i64: 16, 392, 128>}, {transform_indices = @transform_1, window_bounds = array<i64: 16, 392, 128>}]} {
    %get3A = arith.constant 0 : index
    %get3A_0 = arith.constant 0 : index
    %get3A_1 = arith.constant 0 : index
    %get3A_2 = vector.load %arg1[%get3A, %get3A_0, %get3A_1] : memref<16x392x128xf32, #tpu.memory_space<vmem>>, vector<16x392x128xf32>
    %slice3A = vector.extract_strided_slice %get3A_2 {offsets = [0, 0, 1], sizes = [16, 392, 127], strides = [1, 1, 1]} : vector<16x392x128xf32> to vector<16x392x127xf32>
    %slice3A_3 = vector.extract_strided_slice %get3A_2 {offsets = [0, 0, 0], sizes = [16, 392, 1], strides = [1, 1, 1]} : vector<16x392x128xf32> to vector<16x392x1xf32>
    %concatenate3A = tpu.concatenate %slice3A, %slice3A_3 in 2 : vector<16x392x127xf32>, vector<16x392x1xf32> -> vector<16x392x128xf32>
    %slice3A_4 = vector.extract_strided_slice %get3A_2 {offsets = [0, 1, 0], sizes = [16, 391, 128], strides = [1, 1, 1]} : vector<16x392x128xf32> to vector<16x391x128xf32>
    %slice3A_5 = vector.extract_strided_slice %get3A_2 {offsets = [0, 0, 0], sizes = [16, 1, 128], strides = [1, 1, 1]} : vector<16x392x128xf32> to vector<16x1x128xf32>
    %concatenate3A_6 = tpu.concatenate %slice3A_4, %slice3A_5 in 1 : vector<16x391x128xf32>, vector<16x1x128xf32> -> vector<16x392x128xf32>
    %slice3A_7 = vector.extract_strided_slice %concatenate3A_6 {offsets = [0, 0, 0], sizes = [16, 392, 1], strides = [1, 1, 1]} : vector<16x392x128xf32> to vector<16x392x1xf32>
    %iota3A = tpu.iota {dimensions = array<i32: 2>} : vector<16x392x128xi32>
    %eq3A = arith.constant 127 : i32
    %eq3A_8 = vector.broadcast %eq3A : i32 to vector<16x392x128xi32>
    %eq3A_9 = arith.cmpi eq, %iota3A, %eq3A_8 : vector<16x392x128xi32>
    %broadcast_in_dim3A = vector.shape_cast %slice3A_7 : vector<16x392x1xf32> to vector<16x392x1xf32>
    %broadcast_in_dim3A_10 = vector.broadcast %broadcast_in_dim3A : vector<16x392x1xf32> to vector<16x392x128xf32>
    %select_n3A = arith.select %eq3A_9, %broadcast_in_dim3A_10, %concatenate3A : vector<16x392x128xi1>, vector<16x392x128xf32>
    %convert_element_type3A = arith.truncf %get3A_2 : vector<16x392x128xf32> to vector<16x392x128xbf16>
    %bitcast_convert_type3A = tpu.bitcast %convert_element_type3A : vector<16x392x128xbf16> -> vector<16x392x128xi16>
    %convert_element_type3A_11 = arith.extui %bitcast_convert_type3A : vector<16x392x128xi16> to vector<16x392x128xi32>
    %convert_element_type3A_12 = arith.truncf %select_n3A : vector<16x392x128xf32> to vector<16x392x128xbf16>
    %bitcast_convert_type3A_13 = tpu.bitcast %convert_element_type3A_12 : vector<16x392x128xbf16> -> vector<16x392x128xi16>
    %convert_element_type3A_14 = arith.extui %bitcast_convert_type3A_13 : vector<16x392x128xi16> to vector<16x392x128xi32>
    %shift_left3A = arith.constant 16 : i32
    %shift_left3A_15 = vector.broadcast %shift_left3A : i32 to vector<16x392x128xi32>
    %shift_left3A_16 = arith.shli %convert_element_type3A_11, %shift_left3A_15 : vector<16x392x128xi32>
    %or3A = arith.ori %shift_left3A_16, %convert_element_type3A_14 : vector<16x392x128xi32>
    %bitcast_convert_type3A_17 = tpu.bitcast %or3A : vector<16x392x128xi32> -> vector<16x392x128xi32>
    %swap3A = arith.constant 0 : index
    %swap3A_18 = arith.constant 0 : index
    %swap3A_19 = arith.constant 0 : index
    %swap3A_20 = vector.load %arg2[%swap3A, %swap3A_18, %swap3A_19] : memref<16x392x128xi32, #tpu.memory_space<vmem>>, vector<16x392x128xi32>
    tpu.vector_store %arg2[%swap3A, %swap3A_18, %swap3A_19], %bitcast_convert_type3A_17 {strides = array<i32>} : memref<16x392x128xi32, #tpu.memory_space<vmem>>, vector<16x392x128xi32>,
    return
  }
  func.func @transform_0(%arg0: i32) -> (i32, i32, i32) {
    %c0_i32 = arith.constant 0 : i32
    %c0_i32_0 = arith.constant 0 : i32
    %c0_i32_1 = arith.constant 0 : i32
    return %arg0, %c0_i32, %c0_i32_0 : i32, i32, i32
  }
  func.func @transform_1(%arg0: i32) -> (i32, i32, i32) {
    %c0_i32 = arith.constant 0 : i32
    %c0_i32_0 = arith.constant 0 : i32
    %c0_i32_1 = arith.constant 0 : i32
    return %arg0, %c0_i32, %c0_i32_0 : i32, i32, i32
  }
}

module attributes {stable_mosaic.version = 14 : i64} {
  func.func @_tc_coeffs_body(%arg0: i32, %arg1: memref<8x3x3xf32, #tpu.memory_space<smem>>, %arg2: memref<392x128xf32, #tpu.memory_space<vmem>>, %arg3: memref<392x128xf32, #tpu.memory_space<vmem>>, %arg4: memref<1x392x128xi32, #tpu.memory_space<vmem>>, %arg5: memref<1x392x128xi32, #tpu.memory_space<vmem>>, %arg6: memref<1x392x128xi32, #tpu.memory_space<vmem>>) attributes {dimension_semantics = [#tpu.dimension_semantics<arbitrary>], iteration_bounds = array<i64: 8>, scalar_prefetch = 0 : i64, scratch_operands = 0 : i64, tpu.core_type = #tpu.core_type<tc>, window_params = [{transform_indices = @transform_0, window_bounds = array<i64: 8, 3, 3>}, {pipeline_mode = #tpu.pipeline_mode<synchronous>, transform_indices = @transform_1, window_bounds = array<i64: 392, 128>}, {pipeline_mode = #tpu.pipeline_mode<synchronous>, transform_indices = @transform_2, window_bounds = array<i64: 392, 128>}, {transform_indices = @transform_3, window_bounds = array<i64: 1, 392, 128>}, {transform_indices = @transform_4, window_bounds = array<i64: 1, 392, 128>}, {transform_indices = @transform_5, window_bounds = array<i64: 1, 392, 128>}]} {
    %get3A = arith.constant 0 : index
    %get3A_0 = arith.constant 0 : index
    %get3A_1 = vector.load %arg2[%get3A, %get3A_0] : memref<392x128xf32, #tpu.memory_space<vmem>>, vector<392x128xf32>
    %convert_element_type3A = arith.truncf %get3A_1 : vector<392x128xf32> to vector<392x128xbf16>
    %convert_element_type3A_2 = arith.extf %convert_element_type3A : vector<392x128xbf16> to vector<392x128xf32>
    %get3A_3 = arith.constant 0 : index
    %get3A_4 = arith.constant 0 : index
    %get3A_5 = vector.load %arg3[%get3A_3, %get3A_4] : memref<392x128xf32, #tpu.memory_space<vmem>>, vector<392x128xf32>
    %convert_element_type3A_6 = arith.truncf %get3A_5 : vector<392x128xf32> to vector<392x128xbf16>
    %convert_element_type3A_7 = arith.extf %convert_element_type3A_6 : vector<392x128xbf16> to vector<392x128xf32>
    %get3A_8 = arith.index_cast %arg0 : i32 to index
    %get3A_9 = arith.constant 0 : index
    %get3A_10 = arith.constant 0 : index
    %get3A_11 = memref.load %arg1[%get3A_8, %get3A_9, %get3A_10] : memref<8x3x3xf32, #tpu.memory_space<smem>>
    %get3A_12 = arith.index_cast %arg0 : i32 to index
    %get3A_13 = arith.constant 0 : index
    %get3A_14 = arith.constant 1 : index
    %get3A_15 = memref.load %arg1[%get3A_12, %get3A_13, %get3A_14] : memref<8x3x3xf32, #tpu.memory_space<smem>>
    %get3A_16 = arith.index_cast %arg0 : i32 to index
    %get3A_17 = arith.constant 0 : index
    %get3A_18 = arith.constant 2 : index
    %get3A_19 = memref.load %arg1[%get3A_16, %get3A_17, %get3A_18] : memref<8x3x3xf32, #tpu.memory_space<smem>>
    %get3A_20 = arith.index_cast %arg0 : i32 to index
    %get3A_21 = arith.constant 1 : index
    %get3A_22 = arith.constant 0 : index
    %get3A_23 = memref.load %arg1[%get3A_20, %get3A_21, %get3A_22] : memref<8x3x3xf32, #tpu.memory_space<smem>>
    %get3A_24 = arith.index_cast %arg0 : i32 to index
    %get3A_25 = arith.constant 1 : index
    %get3A_26 = arith.constant 1 : index
    %get3A_27 = memref.load %arg1[%get3A_24, %get3A_25, %get3A_26] : memref<8x3x3xf32, #tpu.memory_space<smem>>
    %get3A_28 = arith.index_cast %arg0 : i32 to index
    %get3A_29 = arith.constant 1 : index
    %get3A_30 = arith.constant 2 : index
    %get3A_31 = memref.load %arg1[%get3A_28, %get3A_29, %get3A_30] : memref<8x3x3xf32, #tpu.memory_space<smem>>
    %get3A_32 = arith.index_cast %arg0 : i32 to index
    %get3A_33 = arith.constant 2 : index
    %get3A_34 = arith.constant 0 : index
    %get3A_35 = memref.load %arg1[%get3A_32, %get3A_33, %get3A_34] : memref<8x3x3xf32, #tpu.memory_space<smem>>
    %get3A_36 = arith.index_cast %arg0 : i32 to index
    %get3A_37 = arith.constant 2 : index
    %get3A_38 = arith.constant 1 : index
    %get3A_39 = memref.load %arg1[%get3A_36, %get3A_37, %get3A_38] : memref<8x3x3xf32, #tpu.memory_space<smem>>
    %get3A_40 = arith.index_cast %arg0 : i32 to index
    %get3A_41 = arith.constant 2 : index
    %get3A_42 = arith.constant 2 : index
    %get3A_43 = memref.load %arg1[%get3A_40, %get3A_41, %get3A_42] : memref<8x3x3xf32, #tpu.memory_space<smem>>
    %convert_element_type3A_44 = arith.truncf %get3A_35 : f32 to bf16
    %convert_element_type3A_45 = arith.extf %convert_element_type3A_44 : bf16 to f32
    %mul3A = vector.broadcast %convert_element_type3A_45 : f32 to vector<392x128xf32>
    %mul3A_46 = arith.mulf %mul3A, %convert_element_type3A_2 : vector<392x128xf32>
    %convert_element_type3A_47 = arith.truncf %get3A_39 : f32 to bf16
    %convert_element_type3A_48 = arith.extf %convert_element_type3A_47 : bf16 to f32
    %mul3A_49 = vector.broadcast %convert_element_type3A_48 : f32 to vector<392x128xf32>
    %mul3A_50 = arith.mulf %mul3A_49, %convert_element_type3A_7 : vector<392x128xf32>
    %add3A = arith.addf %mul3A_46, %mul3A_50 : vector<392x128xf32>
    %convert_element_type3A_51 = arith.truncf %get3A_43 : f32 to bf16
    %convert_element_type3A_52 = arith.extf %convert_element_type3A_51 : bf16 to f32
    %add3A_53 = vector.broadcast %convert_element_type3A_52 : f32 to vector<392x128xf32>
    %add3A_54 = arith.addf %add3A, %add3A_53 : vector<392x128xf32>
    %convert_element_type3A_55 = arith.truncf %get3A_11 : f32 to bf16
    %convert_element_type3A_56 = arith.extf %convert_element_type3A_55 : bf16 to f32
    %mul3A_57 = vector.broadcast %convert_element_type3A_56 : f32 to vector<392x128xf32>
    %mul3A_58 = arith.mulf %mul3A_57, %convert_element_type3A_2 : vector<392x128xf32>
    %convert_element_type3A_59 = arith.truncf %get3A_15 : f32 to bf16
    %convert_element_type3A_60 = arith.extf %convert_element_type3A_59 : bf16 to f32
    %mul3A_61 = vector.broadcast %convert_element_type3A_60 : f32 to vector<392x128xf32>
    %mul3A_62 = arith.mulf %mul3A_61, %convert_element_type3A_7 : vector<392x128xf32>
    %add3A_63 = arith.addf %mul3A_58, %mul3A_62 : vector<392x128xf32>
    %convert_element_type3A_64 = arith.truncf %get3A_19 : f32 to bf16
    %convert_element_type3A_65 = arith.extf %convert_element_type3A_64 : bf16 to f32
    %add3A_66 = vector.broadcast %convert_element_type3A_65 : f32 to vector<392x128xf32>
    %add3A_67 = arith.addf %add3A_63, %add3A_66 : vector<392x128xf32>
    %div3A = arith.divf %add3A_67, %add3A_54 : vector<392x128xf32>
    %convert_element_type3A_68 = arith.truncf %get3A_23 : f32 to bf16
    %convert_element_type3A_69 = arith.extf %convert_element_type3A_68 : bf16 to f32
    %mul3A_70 = vector.broadcast %convert_element_type3A_69 : f32 to vector<392x128xf32>
    %mul3A_71 = arith.mulf %mul3A_70, %convert_element_type3A_2 : vector<392x128xf32>
    %convert_element_type3A_72 = arith.truncf %get3A_27 : f32 to bf16
    %convert_element_type3A_73 = arith.extf %convert_element_type3A_72 : bf16 to f32
    %mul3A_74 = vector.broadcast %convert_element_type3A_73 : f32 to vector<392x128xf32>
    %mul3A_75 = arith.mulf %mul3A_74, %convert_element_type3A_7 : vector<392x128xf32>
    %add3A_76 = arith.addf %mul3A_71, %mul3A_75 : vector<392x128xf32>
    %convert_element_type3A_77 = arith.truncf %get3A_31 : f32 to bf16
    %convert_element_type3A_78 = arith.extf %convert_element_type3A_77 : bf16 to f32
    %add3A_79 = vector.broadcast %convert_element_type3A_78 : f32 to vector<392x128xf32>
    %add3A_80 = arith.addf %add3A_76, %add3A_79 : vector<392x128xf32>
    %div3A_81 = arith.divf %add3A_80, %add3A_54 : vector<392x128xf32>
    %add3A_82 = arith.constant 1.000000e+00 : f32
    %add3A_83 = vector.broadcast %add3A_82 : f32 to vector<392x128xf32>
    %add3A_84 = arith.addf %div3A, %add3A_83 : vector<392x128xf32>
    %mul3A_85 = arith.constant 1.120000e+02 : f32
    %mul3A_86 = vector.broadcast %mul3A_85 : f32 to vector<392x128xf32>
    %mul3A_87 = arith.mulf %add3A_84, %mul3A_86 : vector<392x128xf32>
    %add3A_88 = arith.constant 1.000000e+00 : f32
    %add3A_89 = vector.broadcast %add3A_88 : f32 to vector<392x128xf32>
    %add3A_90 = arith.addf %div3A_81, %add3A_89 : vector<392x128xf32>
    %mul3A_91 = arith.constant 1.120000e+02 : f32
    %mul3A_92 = vector.broadcast %mul3A_91 : f32 to vector<392x128xf32>
    %mul3A_93 = arith.mulf %add3A_90, %mul3A_92 : vector<392x128xf32>
    %floor3A = math.floor %mul3A_87 : vector<392x128xf32>
    %floor3A_94 = math.floor %mul3A_93 : vector<392x128xf32>
    %jit3A = arith.constant 0.000000e+00 : f32
    %jit3A_95 = arith.constant 2.230000e+02 : f32
    %max3A = vector.broadcast %jit3A : f32 to vector<392x128xf32>
    %max3A_96 = arith.maximumf %max3A, %floor3A : vector<392x128xf32>
    %min3A = vector.broadcast %jit3A_95 : f32 to vector<392x128xf32>
    %min3A_97 = arith.minimumf %min3A, %max3A_96 : vector<392x128xf32>
    %add3A_98 = arith.constant 1.000000e+00 : f32
    %add3A_99 = vector.broadcast %add3A_98 : f32 to vector<392x128xf32>
    %add3A_100 = arith.addf %floor3A, %add3A_99 : vector<392x128xf32>
    %jit3A_101 = arith.constant 0.000000e+00 : f32
    %jit3A_102 = arith.constant 2.230000e+02 : f32
    %max3A_103 = vector.broadcast %jit3A_101 : f32 to vector<392x128xf32>
    %max3A_104 = arith.maximumf %max3A_103, %add3A_100 : vector<392x128xf32>
    %min3A_105 = vector.broadcast %jit3A_102 : f32 to vector<392x128xf32>
    %min3A_106 = arith.minimumf %min3A_105, %max3A_104 : vector<392x128xf32>
    %jit3A_107 = arith.constant 0.000000e+00 : f32
    %jit3A_108 = arith.constant 2.230000e+02 : f32
    %max3A_109 = vector.broadcast %jit3A_107 : f32 to vector<392x128xf32>
    %max3A_110 = arith.maximumf %max3A_109, %floor3A_94 : vector<392x128xf32>
    %min3A_111 = vector.broadcast %jit3A_108 : f32 to vector<392x128xf32>
    %min3A_112 = arith.minimumf %min3A_111, %max3A_110 : vector<392x128xf32>
    %add3A_113 = arith.constant 1.000000e+00 : f32
    %add3A_114 = vector.broadcast %add3A_113 : f32 to vector<392x128xf32>
    %add3A_115 = arith.addf %floor3A_94, %add3A_114 : vector<392x128xf32>
    %jit3A_116 = arith.constant 0.000000e+00 : f32
    %jit3A_117 = arith.constant 2.230000e+02 : f32
    %max3A_118 = vector.broadcast %jit3A_116 : f32 to vector<392x128xf32>
    %max3A_119 = arith.maximumf %max3A_118, %add3A_115 : vector<392x128xf32>
    %min3A_120 = vector.broadcast %jit3A_117 : f32 to vector<392x128xf32>
    %min3A_121 = arith.minimumf %min3A_120, %max3A_119 : vector<392x128xf32>
    %sub3A = arith.subf %mul3A_87, %min3A_97 : vector<392x128xf32>
    %sub3A_122 = arith.subf %mul3A_93, %min3A_112 : vector<392x128xf32>
    %sub3A_123 = arith.subf %min3A_106, %min3A_97 : vector<392x128xf32>
    %sub3A_124 = arith.subf %min3A_121, %min3A_112 : vector<392x128xf32>
    %sub3A_125 = arith.subf %sub3A_123, %sub3A : vector<392x128xf32>
    %sub3A_126 = arith.subf %sub3A_124, %sub3A_122 : vector<392x128xf32>
    %mul3A_127 = arith.mulf %sub3A_123, %sub3A_124 : vector<392x128xf32>
    %gt3A = arith.constant 5.000000e-01 : f32
    %gt3A_128 = vector.broadcast %gt3A : f32 to vector<392x128xf32>
    %gt3A_129 = arith.cmpf ogt, %mul3A_127, %gt3A_128 : vector<392x128xf32>
    %broadcast_in_dim3A = arith.constant 0.000000e+00 : f32
    %broadcast_in_dim3A_130 = vector.broadcast %broadcast_in_dim3A : f32 to vector<392x128xf32>
    %mul3A_131 = arith.mulf %sub3A_125, %sub3A_126 : vector<392x128xf32>
    %select_n3A = arith.select %gt3A_129, %mul3A_131, %broadcast_in_dim3A_130 : vector<392x128xi1>, vector<392x128xf32>
    %mul3A_132 = arith.mulf %sub3A_125, %sub3A_122 : vector<392x128xf32>
    %select_n3A_133 = arith.select %gt3A_129, %mul3A_132, %broadcast_in_dim3A_130 : vector<392x128xi1>, vector<392x128xf32>
    %mul3A_134 = arith.mulf %sub3A, %sub3A_126 : vector<392x128xf32>
    %select_n3A_135 = arith.select %gt3A_129, %mul3A_134, %broadcast_in_dim3A_130 : vector<392x128xi1>, vector<392x128xf32>
    %mul3A_136 = arith.mulf %sub3A, %sub3A_122 : vector<392x128xf32>
    %select_n3A_137 = arith.select %gt3A_129, %mul3A_136, %broadcast_in_dim3A_130 : vector<392x128xi1>, vector<392x128xf32>
    %convert_element_type3A_138 = arith.truncf %select_n3A : vector<392x128xf32> to vector<392x128xbf16>
    %bitcast_convert_type3A = tpu.bitcast %convert_element_type3A_138 : vector<392x128xbf16> -> vector<392x128xi16>
    %convert_element_type3A_139 = arith.extui %bitcast_convert_type3A : vector<392x128xi16> to vector<392x128xi32>
    %shift_left3A = arith.constant 16 : i32
    %shift_left3A_140 = vector.broadcast %shift_left3A : i32 to vector<392x128xi32>
    %shift_left3A_141 = arith.shli %convert_element_type3A_139, %shift_left3A_140 : vector<392x128xi32>
    %convert_element_type3A_142 = arith.truncf %select_n3A_133 : vector<392x128xf32> to vector<392x128xbf16>
    %bitcast_convert_type3A_143 = tpu.bitcast %convert_element_type3A_142 : vector<392x128xbf16> -> vector<392x128xi16>
    %convert_element_type3A_144 = arith.extui %bitcast_convert_type3A_143 : vector<392x128xi16> to vector<392x128xi32>
    %or3A = arith.ori %shift_left3A_141, %convert_element_type3A_144 : vector<392x128xi32>
    %bitcast_convert_type3A_145 = tpu.bitcast %or3A : vector<392x128xi32> -> vector<392x128xi32>
    %swap3A = arith.constant 0 : index
    %swap3A_146 = arith.constant 0 : index
    %swap3A_147 = arith.constant 0 : index
    %swap3A_148 = vector.load %arg5[%swap3A, %swap3A_146, %swap3A_147] : memref<1x392x128xi32, #tpu.memory_space<vmem>>, vector<1x392x128xi32>
    %swap3A_149 = vector.shape_cast %swap3A_148 : vector<1x392x128xi32> to vector<392x128xi32>
    %swap3A_150 = vector.shape_cast %bitcast_convert_type3A_145 : vector<392x128xi32> to vector<1x392x128xi32>
    tpu.vector_store %arg5[%swap3A, %swap3A_146, %swap3A_147], %swap3A_150 {strides = array<i32>} : memref<1x392x128xi32, #tpu.memory_space<vmem>>, vector<1x392x128xi32>,
    %convert_element_type3A_151 = arith.truncf %select_n3A_135 : vector<392x128xf32> to vector<392x128xbf16>
    %bitcast_convert_type3A_152 = tpu.bitcast %convert_element_type3A_151 : vector<392x128xbf16> -> vector<392x128xi16>
    %convert_element_type3A_153 = arith.extui %bitcast_convert_type3A_152 : vector<392x128xi16> to vector<392x128xi32>
    %shift_left3A_154 = arith.constant 16 : i32
    %shift_left3A_155 = vector.broadcast %shift_left3A_154 : i32 to vector<392x128xi32>
    %shift_left3A_156 = arith.shli %convert_element_type3A_153, %shift_left3A_155 : vector<392x128xi32>
    %convert_element_type3A_157 = arith.truncf %select_n3A_137 : vector<392x128xf32> to vector<392x128xbf16>
    %bitcast_convert_type3A_158 = tpu.bitcast %convert_element_type3A_157 : vector<392x128xbf16> -> vector<392x128xi16>
    %convert_element_type3A_159 = arith.extui %bitcast_convert_type3A_158 : vector<392x128xi16> to vector<392x128xi32>
    %or3A_160 = arith.ori %shift_left3A_156, %convert_element_type3A_159 : vector<392x128xi32>
    %bitcast_convert_type3A_161 = tpu.bitcast %or3A_160 : vector<392x128xi32> -> vector<392x128xi32>
    %swap3A_162 = arith.constant 0 : index
    %swap3A_163 = arith.constant 0 : index
    %swap3A_164 = arith.constant 0 : index
    %swap3A_165 = vector.load %arg6[%swap3A_162, %swap3A_163, %swap3A_164] : memref<1x392x128xi32, #tpu.memory_space<vmem>>, vector<1x392x128xi32>
    %swap3A_166 = vector.shape_cast %swap3A_165 : vector<1x392x128xi32> to vector<392x128xi32>
    %swap3A_167 = vector.shape_cast %bitcast_convert_type3A_161 : vector<392x128xi32> to vector<1x392x128xi32>
    tpu.vector_store %arg6[%swap3A_162, %swap3A_163, %swap3A_164], %swap3A_167 {strides = array<i32>} : memref<1x392x128xi32, #tpu.memory_space<vmem>>, vector<1x392x128xi32>,
    %mul3A_168 = arith.constant 2.240000e+02 : f32
    %mul3A_169 = vector.broadcast %mul3A_168 : f32 to vector<392x128xf32>
    %mul3A_170 = arith.mulf %min3A_112, %mul3A_169 : vector<392x128xf32>
    %add3A_171 = arith.addf %mul3A_170, %min3A_97 : vector<392x128xf32>
    %convert_element_type3A_172 = arith.fptosi %add3A_171 : vector<392x128xf32> to vector<392x128xi32>
    %jit3A_173 = arith.constant 0 : i32
    %jit3A_174 = arith.constant 50175 : i32
    %max3A_175 = vector.broadcast %jit3A_173 : i32 to vector<392x128xi32>
    %max3A_176 = arith.maxsi %max3A_175, %convert_element_type3A_172 : vector<392x128xi32>
    %min3A_177 = vector.broadcast %jit3A_174 : i32 to vector<392x128xi32>
    %min3A_178 = arith.minsi %min3A_177, %max3A_176 : vector<392x128xi32>
    %sub3A_179 = arith.subf %min3A_121, %min3A_112 : vector<392x128xf32>
    %convert_element_type3A_180 = arith.fptosi %sub3A_179 : vector<392x128xf32> to vector<392x128xi32>
    %jit3A_181 = arith.constant 0 : i32
    %jit3A_182 = arith.constant 1 : i32
    %max3A_183 = vector.broadcast %jit3A_181 : i32 to vector<392x128xi32>
    %max3A_184 = arith.maxsi %max3A_183, %convert_element_type3A_180 : vector<392x128xi32>
    %min3A_185 = vector.broadcast %jit3A_182 : i32 to vector<392x128xi32>
    %min3A_186 = arith.minsi %min3A_185, %max3A_184 : vector<392x128xi32>
    %mul3A_187 = arith.constant 224 : i32
    %mul3A_188 = vector.broadcast %mul3A_187 : i32 to vector<392x128xi32>
    %mul3A_189 = arith.muli %min3A_186, %mul3A_188 : vector<392x128xi32>
    %add3A_190 = arith.addi %min3A_178, %mul3A_189 : vector<392x128xi32>
    %jit3A_191 = arith.constant 0 : i32
    %jit3A_192 = arith.constant 50175 : i32
    %max3A_193 = vector.broadcast %jit3A_191 : i32 to vector<392x128xi32>
    %max3A_194 = arith.maxsi %max3A_193, %add3A_190 : vector<392x128xi32>
    %min3A_195 = vector.broadcast %jit3A_192 : i32 to vector<392x128xi32>
    %min3A_196 = arith.minsi %min3A_195, %max3A_194 : vector<392x128xi32>
    %shift_left3A_197 = arith.constant 16 : i32
    %shift_left3A_198 = vector.broadcast %shift_left3A_197 : i32 to vector<392x128xi32>
    %shift_left3A_199 = arith.shli %min3A_196, %shift_left3A_198 : vector<392x128xi32>
    %or3A_200 = arith.ori %min3A_178, %shift_left3A_199 : vector<392x128xi32>
    %swap3A_201 = arith.constant 0 : index
    %swap3A_202 = arith.constant 0 : index
    %swap3A_203 = arith.constant 0 : index
    %swap3A_204 = vector.load %arg4[%swap3A_201, %swap3A_202, %swap3A_203] : memref<1x392x128xi32, #tpu.memory_space<vmem>>, vector<1x392x128xi32>
    %swap3A_205 = vector.shape_cast %swap3A_204 : vector<1x392x128xi32> to vector<392x128xi32>
    %swap3A_206 = vector.shape_cast %or3A_200 : vector<392x128xi32> to vector<1x392x128xi32>
    tpu.vector_store %arg4[%swap3A_201, %swap3A_202, %swap3A_203], %swap3A_206 {strides = array<i32>} : memref<1x392x128xi32, #tpu.memory_space<vmem>>, vector<1x392x128xi32>,
    return
  }
  func.func @transform_0(%arg0: i32) -> (i32, i32, i32) {
    %c0_i32 = arith.constant 0 : i32
    %c0_i32_0 = arith.constant 0 : i32
    %c0_i32_1 = arith.constant 0 : i32
    %c0_i32_2 = arith.constant 0 : i32
    return %c0_i32, %c0_i32_0, %c0_i32_1 : i32, i32, i32
  }
  func.func @transform_1(%arg0: i32) -> (i32, i32) {
    %c0_i32 = arith.constant 0 : i32
    %c0_i32_0 = arith.constant 0 : i32
    %c0_i32_1 = arith.constant 0 : i32
    return %c0_i32, %c0_i32_0 : i32, i32
  }
  func.func @transform_2(%arg0: i32) -> (i32, i32) {
    %c0_i32 = arith.constant 0 : i32
    %c0_i32_0 = arith.constant 0 : i32
    %c0_i32_1 = arith.constant 0 : i32
    return %c0_i32, %c0_i32_0 : i32, i32
  }
  func.func @transform_3(%arg0: i32) -> (i32, i32, i32) {
    %c0_i32 = arith.constant 0 : i32
    %c0_i32_0 = arith.constant 0 : i32
    %c0_i32_1 = arith.constant 0 : i32
    return %arg0, %c0_i32, %c0_i32_0 : i32, i32, i32
  }
  func.func @transform_4(%arg0: i32) -> (i32, i32, i32) {
    %c0_i32 = arith.constant 0 : i32
    %c0_i32_0 = arith.constant 0 : i32
    %c0_i32_1 = arith.constant 0 : i32
    return %arg0, %c0_i32, %c0_i32_0 : i32, i32, i32
  }
  func.func @transform_5(%arg0: i32) -> (i32, i32, i32) {
    %c0_i32 = arith.constant 0 : i32
    %c0_i32_0 = arith.constant 0 : i32
    %c0_i32_1 = arith.constant 0 : i32
    return %arg0, %c0_i32, %c0_i32_0 : i32, i32, i32
  }
}

</mosaic_0001>

<sc_bundles>
// kernel: kernel.5.cloned.1.call-start
scs
__scs_entry_jumppad:
0x0: {  	(pc) =	sbr.rel $0x88, $3  }
0x1: {  	(tag) =	ssettag $0x0;
	lr =	simm.s32 $0x1  }
0x2: {  	[smem:$0x3F9E] =	sst lr;
	_ =	strace $0xD0000000  }
0x3: {  	_ = 	snop  }
0x4: {  	_ = 	snop  }
0x5: {  	_ = 	snop  }
0x6: {  	_ = 	snop  }
0x7: {  	_ = 	snop  }
__scs_overlays_trampoline_lowered:
0x8: {  	[smem:$0x3FAD] =	sst s0  }
0x9: {  	[smem:$0x3FAE] =	sst s1  }
0xa: {  	[smem:$0x3FAF] =	sst s2  }
0xb: {  	[smem:$0x3FB0] =	sst s3  }
0xc: {  	[smem:$0x3FB1] =	sst s4  }
0xd: {  	[smem:$0x3FB2] =	sst s5  }
0xe: {  	[smem:$0x3FB3] =	sst s6  }
0xf: {  	[smem:$0x3FB4] =	sst s7  }
0x10: {  	[smem:$0x3FB5] =	sst s8  }
0x11: {  	[smem:$0x3FB6] =	sst s9;
	s0 =	simm.s32 @!p0 $0x0  }
0x12: {  	s1 =	sld [smem:$0x3F9C];
	s0 =	simm.s32 @p0 $0x1  }
0x13: {  	[smem:$0x3FB7] =	sst s0;
	s0 =	simm.s32 @!p1 $0x0  }
0x14: {  	s2 =	sld [smem:$0x3F9B];
	s0 =	simm.s32 @p1 $0x1  }
0x15: {  	[smem:$0x3FB8] =	sst s0;
	s0 =	simm.s32 @!p2 $0x0  }
0x16: {  	s3 =	sld [smem:$0x3FDB];
	s0 =	simm.s32 @p2 $0x1  }
0x17: {  	s4 =	simm.s32 $0x1BF5;
	[smem:$0x3FBA] =	sst s0  }
0x18: {  	s0 =	sld [smem:$0x3F9D];
	_ =	swait.ge [sflag:s4], $0x0  }
0x19: {  	s7 =	sld [smem:$0x3F9E]  }
0x1a: {  	s8 =	sadd.s32 $0xFFFFE003, lr  }
0x1b: {  	s9 =	sadd.s32 $0xFFFFFEF7, lr;
	s5 =	simm.s32 $0xFFFFFFFF;
	p2 =	slt.u32 s8, $0xFFFFF086  }
0x1c: {  	p1 =	slt.u32 s9, $0xF7A;
	s5 =	simm.s32 @!p2 $0x0  }
0x1d: {  	s5 =	simm.s32 @p1 $0x1;
	p0 =	seq.s32 s7, s2  }
0x1e: {  	s7 =	smul.u32 @!p0 $0xF7A, s2;
	p2 =	seq.s32 @!p0 s5, $0x0  }
0x1f: {  	s9 =	smul.u32 $0xF7A, s1;
	s8 =	simm.s32 @!p0 $0x1BF5;
	p2 =	por !p2, p0  }
0x20: {  	[sflag:s8] =	ssyncset.s32 @!p0 $0xFFFFF086;
	s6 =	sadd.s32 @!p0 s3, s7;
	s7 =	simm.s32 @!p0 $0x108  }
0x21: {  	s3 =	sadd.s32 s3, s9;
	s6 =	sadd.s32 @!p0 $0x88, s6;
	s7 =	simm.s32 @p2 $0x1082  }
0x22: {  	[simem:s7], [sflag:s8] =	dma.local @!p0 [hbm:s6], $0xF7A  }
0x23: {  	s9 =	sor.u32 $0xD0000000, s2;
	s6 =	simm.s32 $0x108;
	_ =	swait.ge @!p0 [sflag:s8], $0x0  }
0x24: {  	s3 =	sadd.s32 $0x88, s3;
	s6 =	simm.s32 @!p1 $0x1082;
	[sflag:s4] =	ssyncset.s32 $0xFFFFF086  }
0x25: {  	[simem:s6], [sflag:s4] =	dma.local [hbm:s3], $0xF7A  }
0x26: {  	[smem:$0x3F9E] =	sst s1;
	(tag) =	ssettag s2;
	_ =	strace s9  }
0x27: {  	s1 =	sld [smem:$0x3FAE]  }
0x28: {  	s2 =	sld [smem:$0x3FAF]  }
0x29: {  	s4 =	sld [smem:$0x3FB1]  }
0x2a: {  	p0 =	seq.s32 s5, $0x0;
	s5 =	sld [smem:$0x3FB2]  }
0x2b: {  	s6 =	sld [smem:$0x3FB3]  }
0x2c: {  	s7 =	sld [smem:$0x3FB4]  }
0x2d: {  	s3 =	simm.s32 $0x108;
	s8 =	sld [smem:$0x3FB5]  }
0x2e: {  	s3 =	simm.s32 @!p0 $0x1082;
	s9 =	sld [smem:$0x3FB6]  }
0x2f: {  	lr =	sadd.s32 s0, s3;
	s0 =	sld [smem:$0x3FAD]  }
0x30: {  	s3 =	sld [smem:$0x3FB0]  }
0x31: {  	[smem:$0x3FB9] =	sst s10  }
0x32: {  	s10 =	sld [smem:$0x3FB7];
	_ =	sdelay $0x3  }
0x33: {  	p0 =	seq.s32 s10, $0x1;
	s10 =	sld [smem:$0x3FB9];
	_ =	sdelay $0x3  }
0x34: {  	[smem:$0x3FB9] =	sst s10  }
0x35: {  	s10 =	sld [smem:$0x3FB8];
	_ =	sdelay $0x3  }
0x36: {  	p1 =	seq.s32 s10, $0x1;
	s10 =	sld [smem:$0x3FB9];
	_ =	sdelay $0x3  }
0x37: {  	[smem:$0x3FB9] =	sst s10  }
0x38: {  	s10 =	sld [smem:$0x3FBA]  }
0x39: {  	_ = 	snop;
	(pc) =	sbr.ind lr, $3  }
0x3a: {  	_ = 	snop  }
0x3b: {  	_ = 	snop  }
0x3c: {  	p2 =	seq.s32 s10, $0x1;
	s10 =	sld [smem:$0x3FB9]  }
0x3d: {  	_ =	shalt  }
0x3e: {  	_ =	shalt  }
0x3f: {  	_ =	shalt  }
0x40: {  	_ =	shalt  }
0x41: {  	_ =	shalt  }
0x42: {  	_ =	shalt  }
0x43: {  	_ =	shalt  }
0x44: {  	_ =	shalt  }
0x45: {  	_ =	shalt  }
0x46: {  	_ =	shalt  }
0x47: {  	_ =	shalt  }
0x48: {  	_ =	shalt  }
0x49: {  	_ =	shalt  }
0x4a: {  	_ =	shalt  }
0x4b: {  	_ =	shalt  }
0x4c: {  	_ =	shalt  }
0x4d: {  	_ =	shalt  }
0x4e: {  	_ =	shalt  }
0x4f: {  	_ =	shalt  }
0x50: {  	_ =	shalt  }
0x51: {  	_ =	shalt  }
0x52: {  	_ =	shalt  }
0x53: {  	_ =	shalt  }
0x54: {  	_ =	shalt  }
0x55: {  	_ =	shalt  }
0x56: {  	_ =	shalt  }
0x57: {  	_ =	shalt  }
0x58: {  	_ =	shalt  }
0x59: {  	_ =	shalt  }
0x5a: {  	_ =	shalt  }
0x5b: {  	_ =	shalt  }
0x5c: {  	_ =	shalt  }
0x5d: {  	_ =	shalt  }
0x5e: {  	_ =	shalt  }
0x5f: {  	_ =	shalt  }
0x60: {  	_ =	shalt  }
0x61: {  	_ =	shalt  }
0x62: {  	_ =	shalt  }
0x63: {  	_ =	shalt  }
0x64: {  	_ =	shalt  }
0x65: {  	_ =	shalt  }
0x66: {  	_ =	shalt  }
0x67: {  	_ =	shalt  }
0x68: {  	_ =	shalt  }
0x69: {  	_ =	shalt  }
0x6a: {  	_ =	shalt  }
0x6b: {  	_ =	shalt  }
0x6c: {  	_ =	shalt  }
0x6d: {  	_ =	shalt  }
0x6e: {  	_ =	shalt  }
0x6f: {  	_ =	shalt  }
0x70: {  	_ =	shalt  }
0x71: {  	_ =	shalt  }
0x72: {  	_ =	shalt  }
0x73: {  	_ =	shalt  }
0x74: {  	_ =	shalt  }
0x75: {  	_ =	shalt  }
0x76: {  	_ =	shalt  }
0x77: {  	_ =	shalt  }
0x78: {  	_ =	shalt  }
0x79: {  	_ =	shalt  }
0x7a: {  	_ =	shalt  }
0x7b: {  	_ =	shalt  }
0x7c: {  	_ =	shalt  }
0x7d: {  	_ =	shalt  }
0x7e: {  	_ =	shalt  }
0x7f: {  	_ =	shalt  }
0x80: {  	_ =	shalt  }
0x81: {  	_ =	shalt  }
0x82: {  	_ =	shalt  }
0x83: {  	_ =	shalt  }
0x84: {  	_ =	shalt  }
0x85: {  	_ =	shalt  }
0x86: {  	_ =	shalt  }
0x87: {  	_ =	shalt  }
.Lfunc_end0:
.L_simem_size_0:
called_computation_lowered:
.L_overlay_start_0:
0x88: {  	s2 =	sld [smem:$0x3FD9]  }
0x89: {  	s3 =	sld [smem:$0x3FFE];
	_ =	sdelay $0x1  }
0x8a: {  	s1 =	srdreg.scid  }
0x8b: {  	s0 =	sand.u32 $0x1, s1  }
0x8c: {  	s17 =	sshll.u32 s0, $0xA;
	s2 =	sadd.s32 s3, s2  }
0x8d: {  	s2 =	sadd.s32 s2, s17  }
0x8e: {  	[smem:$0x3FC5] =	sst s2  }
0x8f: {  	_ = 	snop  }
0x90: {  	s2 =	sld [smem:$0x3FD0];
	(tm) =	ssettm $0x1  }
0x91: {  	s18 =	sld [smem:$0x3FFB];
	_ =	sdelay $0x3  }
0x92: {  	_ =	strace s18  }
0x93: {  	s3 =	sld [smem:$0x3FFC];
	_ =	sdelay $0x3  }
0x94: {  	_ =	strace s3  }
0x95: {  	s3 =	sld [smem:$0x3FFD];
	_ =	sdelay $0x3  }
0x96: {  	_ =	strace s3  }
0x97: {  	_ =	strace $0x8FFFFFFF  }
0x98: {  	s19 =	sld [smem:$0x3FDB];
	_ =	sdelay $0x1  }
0x99: {  	s4 =	simm.s32 $_scs_section_size  }
0x9a: {  	s5 =	simm.s32 $_size__tile_overlayer_lowered;
	s6 =	simm.s32 $_tile_overlayer_lowered  }
0x9b: {  	s22 =	simm.s32 $0x1BFF;
	s21 =	sshll.u32 s6, $0x1;
	s3 =	sadd.s32 s4, s19  }
0x9c: {  	s7 =	simm.s32 $0x0;
	s20 =	sshll.u32 s5, $0x1;
	s5 =	sadd.s32 s21, s3  }
0x9d: {  	[timem:s7], [sflag:s22] =	dma.local [hbm:s5], s20  }
0x9e: {  	_ =	swait.ge [sflag:s22], s20  }
0x9f: {  	s4 =	ssub.s32 $0x0, s20;
	[sflag:s22] =	ssyncset.done $0x0  }
0xa0: {  	[sflag:s22] =	ssyncadd.s32 s4;
	_ =	sdelay $0x1  }
0xa1: {  	s23 =	simm.s32 $0x1B8B  }
0xa2: {  	_ =	swait.ge [sflag:s23], $0x1  }
0xa3: {  	[sflag:s23] =	ssyncset.done $0x0  }
0xa4: {  	s25 =	simm.s32 $0x1B8E;
	s24 =	sld [smem:$0x3FFE];
	[sflag:s23] =	ssyncadd.s32 $0xFFFFFFFF  }
0xa5: {  	s26 =	simm.s32 $execute0_lowered;
	[smem:$0x3FD2] =	sst s25  }
0xa6: {  	s5 =	sshll.u32 s26, $0x1;
	_ =	strace $0x80000046;
	[dreg:$0x1] =	wrdreg $0xFFFFFFFF  }
0xa7: {  	s28 =	simm.s32 $_size_execute0_lowered;
	s3 =	sadd.s32 s3, s5;
	[dreg:$0x0] =	wrdreg $0x0  }
0xa8: {  	s5 =	sshll.u32 s28, $0x1;
	[dreg:$0x2] =	wrdreg s3  }
0xa9: {  	[dreg:$0x3] =	wrdreg s5  }
0xaa: {  	[dreg:$0x4] =	wrdreg $0xC0  }
0xab: {  	_ =	task [dreg:s7], $0x5FFFF  }
0xac: {  	[dreg:$0x1] =	wrdreg $0xFFFFFFFF  }
0xad: {  	[dreg:$0x0] =	wrdreg $0x60  }
0xae: {  	[dreg:$0x2] =	wrdreg s24  }
0xaf: {  	[dreg:$0x3] =	wrdreg s2  }
0xb0: {  	[dreg:$0x4] =	wrdreg $0x9  }
0xb1: {  	_ =	task.clear_ibuf [dreg:s7], $0x5FFFF;
	_ =	strace $0x90000046  }
0xb2: {  	s29 =	simm.s32 $0x9;
	_ =	strace $0x80000048  }
0xb3: {  	_ =	swait.ge [sflag:s29], $0x1  }
0xb4: {  	[sflag:s29] =	ssyncadd.s32 $0xFFFFFFFF  }
0xb5: {  	_ =	strace $0x90000048  }
0xb6: {  	_ =	sfence  }
0xb7: {  	s30 =	sld [smem:$0x0];
	_ =	sdelay $0x2  }
0xb8: {  	s31 =	sshll.u32 s1, $0xD;
	s1 =	sshrl.u32 s1, $0x2  }
0xb9: {  	s3 =	sand.u32 $0x4000, s31;
	s1 =	sadd.s32 s1, s30  }
0xba: {  	s0 =	sor.u32 s3, s0;
	s1 =	sshll.u32 s1, $0x11  }
0xbb: {  	s0 =	sor.u32 s1, s0  }
0xbc: {  	s0 =	sadd.s32 $0x8F2B, s0  }
0xbd: {  	[sflag:s0] =	ssyncadd.remote.s32 $0x1  }
0xbe: {  	_ =	sfence.sel $0xFFFF  }
0xbf: {  	[dreg:$0x0] =	wrdreg $0xFFFFFFFF;
	(pc) =	sbr.abs _section_cstart, $3  }
0xc0: {  	[dreg:$0x1] =	wrdreg $0xFFFFFFFF  }
0xc1: {  	_ =	task.clear_ibuf [dreg:s7], $0x2FFFF;
	_ =	strace $0x9FFFFFFF  }
0xc2: {  	(tm) =	ssettm $0x7FFFFFFF  }
0xc3: {  	_ =	shalt  }
tec
execute0_lowered:
.L_overlay_start_1:
0x0: {  	(tag) =	ssettag $0x1  }
0x1: {  	s3 =	stileid.u32  }
0x2: {  	s0 =	srdreg.scid;
	s2 =	rddreg [dreg:$0x0]  }
0x3: {  	s31 =	rddreg [dreg:$0x1];
	s4 =	simm.s32 $0x0;
	s29 =	simm.s32 $0x3  }
0x4: {  	s1 =	sshll.u32 s3, $0x1;
	s0 =	sand.u32 $0x1, s0;
	s3 =	sshrl.u32 s3, $0x1  }
0x5: {  	[smem:$0x7FF] =	sst s4;
	s11 =	sadd.s32 $0x4A00, s2;
	s7 =	sadd.s32 $0x49CA00, s2  }
0x6: {  	s12 =	sadd.s32 $0x4A8E00, s2;
	s1 =	sand.u32 $0x2, s1;
	s9 =	smul.u32 $0x60, s3  }
0x7: {  	_ =	strace $0x80000047;
	s3 =	smul.u32 $0xC400, s3;
	[dreg:$0x5] =	wrdreg s11  }
0x8: {  	s10 =	sadd.s32 $0x4B5200, s2;
	[dreg:$0x10] =	wrdreg s7;
	s1 =	sor.u32 s0, s1  }
0x9: {  	s0 =	ssub.s32 $0x2, s0;
	s1 =	smul.u32 $0x18, s1;
	[dreg:$0x6] =	wrdreg s3  }
0xa: {  	s6 =	sshrl.u32 s0, $0x1;
	s28 =	sadd.s32 $0xE00, s3;
	[dreg:$0x4] =	wrdreg s9  }
0xb: {  	s24 =	sshrl.u32 s3, $0x3;
	s30 =	sor.u32 $0x2, s9;
	[dreg:$0xc] =	wrdreg s28  }
0xc: {  	s0 =	ssub.s32 s0, s6;
	[dreg:$0x3] =	wrdreg s1;
	s1 =	sadd.s32 s9, s1  }
0xd: {  	s25 =	sadd.s32 s31, s24;
	[dreg:$0xd] =	wrdreg s30;
	s5 =	smul.u32 $0xC400, s1  }
0xe: {  	s26 =	sadd.s32 s7, s24;
	[dreg:$0x9] =	wrdreg s25;
	s1 =	smul.u32 $0x1880, s1  }
.Ltmp0:
0xf: {  	[dreg:$0xa] =	wrdreg s26;
	s0 =	smax.u32 s0, $0x1;
	(pc) =	sbr.rel .LBB2_1-.Ltmp0, $4  }
0x10: {  	[dreg:$0xe] =	wrdreg s0;
	s5 =	sshrl.u32 s5, $0x3;
	s1 =	sadd.s32 s11, s1  }
0x11: {  	s22 =	sadd.s32 s11, s5;
	[dreg:$0x7] =	wrdreg s1;
	s1 =	sadd.s32 s12, s24  }
0x12: {  	s8 =	smov.u32 s12;
	s23 =	sadd.s32 $0x1880, s22;
	[dreg:$0xb] =	wrdreg s1  }
0x13: {  	v0 =	vimm.f32 $1.000000000e+00;
	s3 =	simm.s32 $0x0;
	s1 =	simm.s32 $0x4;
	[dreg:$0x8] =	wrdreg s23  }
.LBB2_10:
0x14: {  	s0 =	simm.s32 $0x5  }
0x15: {  	_ =	swait.ge [sflag:s0], $0x700  }
0x16: {  	[sflag:s0] =	ssyncset.done $0x0  }
0x17: {  	[sflag:s0] =	ssyncadd.s32 $0xFFFFF900  }
0x18: {  	_ =	swait.ge [sflag:s0], $0x700  }
0x19: {  	[sflag:s0] =	ssyncset.done $0x0  }
0x1a: {  	s2 =	simm.s32 $0x6;
	[sflag:s0] =	ssyncadd.s32 $0xFFFFF900  }
0x1b: {  	_ =	swait.ge [sflag:s2], $0x700  }
0x1c: {  	[sflag:s2] =	ssyncset.done $0x0  }
0x1d: {  	[sflag:s2] =	ssyncadd.s32 $0xFFFFF900  }
0x1e: {  	_ =	swait.ge [sflag:s2], $0x700  }
0x1f: {  	s3 =	rddreg [dreg:$0xf]  }
0x20: {  	s30 =	rddreg [dreg:$0xe];
	s3 =	sadd.s32 $0x1, s3  }
0x21: {  	p0 =	sne.s32 s3, s30  }
.Ltmp1:
0x22: {  	_ = 	snop;
	(pc) =	sbr.rel @!p0 .LBB2_11-.Ltmp1, $3  }
0x23: {  	_ =	sdelay $0x1  }
0x24: {  	[sflag:s2] =	ssyncset.done $0x0  }
0x25: {  	[sflag:s2] =	ssyncadd.s32 $0xFFFFF900  }
.LBB2_1:
0x26: {  	[dreg:$0xf] =	wrdreg s3  }
0x27: {  	s0 =	rddreg [dreg:$0x7]  }
0x28: {  	[tilespmem:s4], [sflag:$0x1] =	stream.linear.gather [hbm4b:s0+s4], $0xC400, $0x38;
	[tilespmem:$0x1CE00] =	vst v63  }
0x29: {  	s22 =	rddreg [dreg:$0x8];
	s2 =	simm.s32 $0xC400  }
0x2a: {  	[tilespmem:s2], [sflag:$0x2] =	stream.linear.gather [hbm4b:s22+s4], $0xC400, $0x38;
	[tilespmem:$0x1CE00] =	vst v63  }
0x2b: {  	s23 =	rddreg [dreg:$0x9];
	s24 =	simm.s32 $0x18800  }
0x2c: {  	[tilespmem:s24], [sflag:$0x3] =	stream.linear.gather [hbm4b:s23+s4], $0x700, $0x38;
	[tilespmem:$0x1CE00] =	vst v63  }
0x2d: {  	s25 =	rddreg [dreg:$0xa];
	s26 =	simm.s32 $0x19600  }
0x2e: {  	[tilespmem:s26], [sflag:$0x3] =	stream.linear.gather [hbm4b:s25+s4], $0x700, $0x38;
	[tilespmem:$0x1CE00] =	vst v63  }
0x2f: {  	s28 =	rddreg [dreg:$0xb];
	s30 =	simm.s32 $0x1A400;
	s6 =	simm.s32 $0x0  }
0x30: {  	[tilespmem:s30], [sflag:$0x3] =	stream.linear.gather [hbm4b:s28+s4], $0x700, $0x38;
	[tilespmem:$0x1CE00] =	vst v63  }
.LBB2_2:
0x31: {  	s3 =	simm.s32 $0x1  }
0x32: {  	_ =	swait.ge [sflag:s3], $0xC400  }
0x33: {  	s0 =	sshll.u32 s6, $0x1;
	s30 =	simm.s32 $0x2;
	s2 =	rddreg [dreg:$0x3]  }
0x34: {  	[sflag:s3] =	ssyncset.done $0x0;
	s28 =	rddreg [dreg:$0x4];
	s2 =	sadd.s32 s2, s0  }
0x35: {  	[sflag:s3] =	ssyncadd.s32 $0xFFFF3C00;
	[dreg:$0x11] =	wrdreg s2;
	s0 =	sadd.s32 s28, s2  }
0x36: {  	_ =	swait.ge [sflag:s30], $0xC400;
	s19 =	smul.u32 $0xC400, s0  }
0x37: {  	[sflag:s30] =	ssyncset.done $0x0  }
0x38: {  	s21 =	simm.s32 $0x0;
	[sflag:s30] =	ssyncadd.s32 $0xFFFF3C00;
	s20 =	sadd.s32 $0xC400, s19  }
.LBB2_3:
0x39: {  	s17 =	smul.u32 $0xE00, s21;
	_ =	sdelay $0x1  }
0x3a: {  	s0 =	rddreg [dreg:$0x6];
	s22 =	sadd.s32 $0x700, s17  }
0x3b: {  	s0 =	sadd.s32 s0, s22  }
0x3c: {  	s0 =	sshrl.u32 s0, $0x3  }
0x3d: {  	s3 =	simm.s32 $0x18F00;
	s13 =	rddreg [dreg:$0x10];
	s2 =	sadd.s32 s31, s0  }
0x3e: {  	[tilespmem:s3], [sflag:$0x4] =	stream.linear.gather [hbm4b:s2+s4], $0x700, $0x38;
	[tilespmem:$0x1CE00] =	vst v63  }
0x3f: {  	s14 =	simm.s32 $0x19D00;
	s2 =	sadd.s32 s13, s0  }
0x40: {  	[tilespmem:s14], [sflag:$0x4] =	stream.linear.gather [hbm4b:s2+s4], $0x700, $0x38;
	[tilespmem:$0x1CE00] =	vst v63  }
0x41: {  	s15 =	simm.s32 $0x1AB00;
	s0 =	sadd.s32 s8, s0  }
0x42: {  	[tilespmem:s15], [sflag:$0x4] =	stream.linear.gather [hbm4b:s0+s4], $0x700, $0x38;
	[tilespmem:$0x1CE00] =	vst v63  }
0x43: {  	_ =	swait.ge [sflag:s29], $0x700  }
0x44: {  	[sflag:s29] =	ssyncset.done $0x0  }
0x45: {  	[sflag:s29] =	ssyncadd.s32 $0xFFFFF900  }
0x46: {  	_ =	swait.ge [sflag:s29], $0x700  }
0x47: {  	[sflag:s29] =	ssyncset.done $0x0  }
0x48: {  	[sflag:s29] =	ssyncadd.s32 $0xFFFFF900  }
0x49: {  	s16 =	sor.u32 s6, s21;
	_ =	swait.ge [sflag:s29], $0x700  }
0x4a: {  	p0 =	seq.s32 s16, $0x0;
	[sflag:s29] =	ssyncset.done $0x0  }
0x4b: {  	s0 =	simm.s32 @!p0 $0x5;
	[sflag:s29] =	ssyncadd.s32 $0xFFFFF900  }
0x4c: {  	_ =	swait.ge @!p0 [sflag:s0], $0x700  }
0x4d: {  	[sflag:s0] =	ssyncset.done @!p0 $0x0  }
0x4e: {  	[sflag:s0] =	ssyncadd.s32 @!p0 $0xFFFFF900  }
0x4f: {  	s2 =	simm.s32 @!p0 $0x0;
	_ =	swait.ge @!p0 [sflag:s0], $0x700  }
0x50: {  	s2 =	simm.s32 @p0 $0x1;
	[sflag:s0] =	ssyncset.done @!p0 $0x0  }
0x51: {  	s3 =	simm.s32 $0x0;
	[smem:$0x7FD] =	sst s2;
	[sflag:s0] =	ssyncadd.s32 @!p0 $0xFFFFF900  }
0x52: {  	v1 =	vld [tilespmem:s3+$0x1A400]  }
0x53: {  	v2 =	vld [tilespmem:s3+$0x19600];
	_ =	sdelay $0x4  }
0x54: {  	v3 =	vor.u32 v2, v1  }
0x55: {  	vm0 =	veq.s32 v3, $0x0  }
0x56: {  	v3 =	vsel vm0, $0x0, v0  }
0x57: {  	(xrf0) =	vmax.scan.msk.f32 $0xffff, v3;
	_ =	sdelay $0x1  }
0x58: {  	s5 =	simm.s32 $0x10  }
0x59: {  	v6 =	vld [tilespmem:s5+$0x1A400]  }
0x5a: {  	v7 =	vld [tilespmem:s5+$0x19600];
	_ =	sdelay $0x1  }
0x5b: {  	v3, _, _ =	vpop (xrf0)  }
0x5c: {  	(v2sf) =	vpush v3, $0xF;
	_ =	sdelay $0x1  }
0x5d: {  	v3 =	vor.u32 v7, v6  }
0x5e: {  	vm9 =	veq.s32 v3, $0x0  }
0x5f: {  	v3 =	vsel vm9, $0x0, v0  }
0x60: {  	s13 =	simm.s32 $0x20;
	(xrf0) =	vmax.scan.msk.f32 $0xffff, v3  }
0x61: {  	v11 =	vld [tilespmem:s13+$0x1A400]  }
0x62: {  	v22 =	vld [tilespmem:s13+$0x19600];
	_ =	sdelay $0x3  }
0x63: {  	v3, _, _ =	vpop (xrf0)  }
0x64: {  	v4 =	vor.u32 v22, v11;
	(v2sf) =	vpush v3, $0xF  }
0x65: {  	vm10 =	veq.s32 v4, $0x0  }
0x66: {  	v3 =	vsel vm10, $0x0, v0  }
0x67: {  	(xrf0) =	vmax.scan.msk.f32 $0xffff, v3;
	s23 =	spop (v2sf)  }
0x68: {  	s14 =	simm.s32 $0x30;
	p0 =	sgt.f32 s23, $0.0e+00  }
0x69: {  	v9 =	vld [tilespmem:s14+$0x1A400]  }
0x6a: {  	v10 =	vld [tilespmem:s14+$0x19600];
	v3 =	vimm.f32 @!p0 $0.0e+00  }
0x6b: {  	s0 =	simm.s32 @!p0 $0x0  }
0x6c: {  	s7 =	smov.u32 s6;
	s6 =	simm.s32 @p0 $0x0;
	[tilespmem:s0+$0x1B200] =	vst @!p0 v3  }
0x6d: {  	v4 =	vld @p0 [tilespmem:s6+$0x18800];
	v3, _, _ =	vpop (xrf0)  }
0x6e: {  	(v2sf) =	vpush v3, $0xF  }
0x6f: {  	v3 =	vor.u32 v10, v9  }
0x70: {  	vm11 =	veq.s32 v3, $0x0  }
0x71: {  	v3 =	vsel vm11, $0x0, v0  }
0x72: {  	v12 =	vshrl.u32 @p0 v4, $0x10;
	(xrf0) =	vmax.scan.msk.f32 $0xffff, v3  }
0x73: {  	p2 =	por p0, p0;
	s24 =	spop (v2sf)  }
0x74: {  	s15 =	simm.s32 $0x40;
	v18 =	vand.u32 @p2 $0xFFFF, v4;
	p1 =	sgt.f32 s24, $0.0e+00  }
0x75: {  	v8 =	vld [tilespmem:s15+$0x19600]  }
0x76: {  	s2 =	simm.s32 @p2 $0x0;
	v3 =	vld [tilespmem:s15+$0x1A400];
	s0 =	simm.s32 @!p1 $0x10;
	v4 =	vimm.f32 @!p1 $0.0e+00  }
0x77: {  	[tilespmem:s0+$0x1B200] =	vst @!p1 v4;
	s0 =	simm.s32 @p1 $0x10;
	v13 =	vld.idx.msk @p2 [tilespmem:v12+s2+$0x0], $0xffff  }
0x78: {  	v4 =	vld @p1 [tilespmem:s0+$0x18800];
	v5, _, _ =	vpop (xrf0)  }
0x79: {  	v14 =	vld.idx.msk @p2 [tilespmem:v18+s2+$0x0], $0xffff;
	(v2sf) =	vpush v5, $0xF;
	_ =	sdelay $0x1  }
0x7a: {  	v23 =	vshll.u32 @p0 v2, $0x10;
	v27 =	vand.u32 @p2 $0xFFFF0000, v2;
	p2 =	por p2, p2;
	v5 =	vor.u32 v8, v3  }
0x7b: {  	s23 =	simm.s32 $0x50;
	v24 =	vand.u32 @p0 $0xFFFF0000, v1;
	v30 =	vshll.u32 @p2 v1, $0x10;
	vm12 =	veq.s32 v5, $0x0  }
0x7c: {  	v2 =	vld [tilespmem:s23+$0x1A400];
	p0 =	por p1, p1;
	v15 =	vsel vm12, $0x0, v0;
	v28 =	vshrl.u32 @p1 v4, $0x10;
	v16 =	vshll.u32 @p2 v13, $0x10;
	s25 =	spop (v2sf)  }
0x7d: {  	s24 =	simm.s32 $0x60;
	v5 =	vld [tilespmem:s23+$0x19600];
	v29 =	vand.u32 @p0 $0xFFFF, v4;
	v4 =	vand.u32 @p2 $0xFFFF0000, v14;
	v13 =	vand.u32 @p2 $0xFFFF0000, v13;
	p3 =	sgt.f32 s25, $0.0e+00  }
0x7e: {  	v1 =	vld [tilespmem:s24+$0x1A400];
	v14 =	vshll.u32 @p2 v14, $0x10;
	(xrf0) =	vmax.scan.msk.f32 $0xffff, v15;
	v17 =	vmul.f32 @p2 v4, v27;
	v13 =	vmul.f32 @p2 v13, v23  }
0x7f: {  	v14 =	vmul.f32 @p2 v14, v24;
	v16 =	vmul.f32 @p2 v16, v30;
	v4 =	vld [tilespmem:s24+$0x19600];
	s2 =	simm.s32 @!p3 $0x20;
	v15 =	vimm.f32 @!p3 $0.0e+00  }
0x80: {  	p2 =	por p2, p2;
	s25 =	simm.s32 @p3 $0x20;
	[tilespmem:s2+$0x1B200] =	vst @!p3 v15  }
0x81: {  	v13 =	vadd.f32 @p2 v13, v17;
	v14 =	vadd.f32 @p2 v16, v14;
	s2 =	simm.s32 @p0 $0x0;
	v19 =	vld @p3 [tilespmem:s25+$0x18800]  }
0x82: {  	v15 =	vor.u32 v5, v2;
	v21 =	vld.idx.msk @p0 [tilespmem:v28+s2+$0x0], $0xffff  }
0x83: {  	v20 =	vand.u32 @p0 $0xFFFF0000, v7;
	vm13 =	veq.s32 v15, $0x0;
	v26 =	vld.idx.msk @p0 [tilespmem:v29+s2+$0x0], $0xffff;
	v15 =	vadd.f32 @p2 v14, v13  }
0x84: {  	v16 =	vshll.u32 @p1 v7, $0x10;
	v17 =	vand.u32 @p1 $0xFFFF0000, v6;
	v25, _, _ =	vpop (xrf0);
	v7 =	vor.u32 v4, v1  }
0x85: {  	v14 =	vshll.u32 @p3 v22, $0x10;
	v13 =	vand.u32 @p3 $0xFFFF0000, v11;
	s2 =	simm.s32 @p2 $0xC400;
	(v2sf) =	vpush v25, $0xF;
	[tilespmem:s6+$0x1B200] =	vst @p2 v15  }
0x86: {  	p1 =	por p0, p0;
	vm14 =	veq.s32 v7, $0x0;
	p0 =	por p3, p3;
	v31 =	vsel vm13, $0x0, v0;
	v18 =	vld.idx.msk @p2 [tilespmem:v18+s2+$0x0], $0xffff;
	v15 =	vshrl.u32 @p3 v19, $0x10  }
0x87: {  	v25 =	vsel vm14, $0x0, v0;
	v12 =	vld.idx.msk @p2 [tilespmem:v12+s2+$0x0], $0xffff;
	v32 =	vshll.u32 @p1 v21, $0x10;
	v19 =	vand.u32 @p0 $0xFFFF, v19;
	s26 =	spop (v2sf)  }
0x88: {  	s6 =	simm.s32 $0x70;
	v7 =	vand.u32 @p1 $0xFFFF0000, v26;
	v26 =	vshll.u32 @p1 v26, $0x10;
	v21 =	vand.u32 @p1 $0xFFFF0000, v21;
	p3 =	sgt.f32 s26, $0.0e+00  }
0x89: {  	(xrf0) =	vmax.scan.msk.f32 $0xffff, v31;
	s2 =	simm.s32 @p0 $0x0;
	v33 =	vmul.f32 @p1 v7, v20;
	v7 =	vld [tilespmem:s6+$0x1A400];
	v34 =	vmul.f32 @p1 v21, v16;
	v21 =	vshll.u32 @p1 v6, $0x10  }
0x8a: {  	p2 =	por p2, p2;
	v31 =	vmul.f32 @p1 v26, v17;
	v6 =	vld [tilespmem:s6+$0x19600];
	v32 =	vmul.f32 @p1 v32, v21;
	p1 =	por p1, p1;
	s11 =	simm.s32 @!p3 $0x30;
	v35 =	vimm.f32 @!p3 $0.0e+00  }
0x8b: {  	v22 =	vand.u32 @p0 $0xFFFF0000, v22;
	s12 =	simm.s32 @p3 $0x30;
	v33 =	vadd.f32 @p1 v34, v33;
	v34 =	vand.u32 @p2 $0xFFFF0000, v18;
	[tilespmem:s11+$0x1B200] =	vst @!p3 v35;
	v26 =	vld.idx.msk @p0 [tilespmem:v15+s2+$0x0], $0xffff  }
0x8c: {  	v18 =	vshll.u32 @p2 v18, $0x10;
	v31 =	vadd.f32 @p1 v32, v31;
	v32 =	vand.u32 @p2 $0xFFFF0000, v12;
	v35 =	vld @p3 [tilespmem:s12+$0x18800]  }
0x8d: {  	v36 =	vshll.u32 @p2 v12, $0x10;
	v34 =	vmul.f32 @p2 v34, v27;
	v27 =	vld.idx.msk @p0 [tilespmem:v19+s2+$0x0], $0xffff;
	v23 =	vmul.f32 @p2 v32, v23  }
0x8e: {  	v24 =	vmul.f32 @p2 v18, v24;
	v12 =	vshll.u32 @p3 v10, $0x10;
	v31 =	vadd.f32 @p1 v31, v33  }
0x8f: {  	v63, _, _ =	vpop (xrf0);
	v32 =	vmul.f32 @p2 v36, v30;
	v30 =	vadd.f32 @p2 v23, v34;
	v23 =	vor.u32 v6, v7  }
0x90: {  	s18 =	smov.u32 s31;
	s28 =	simm.s32 $0x140;
	v18 =	vand.u32 @p3 $0xFFFF0000, v9;
	(v2sf) =	vpush v63, $0xF;
	[tilespmem:s0+$0x1B200] =	vst @p1 v31;
	s0 =	simm.s32 @p1 $0xC400;
	vm15 =	veq.s32 v23, $0x0  }
0x91: {  	s30 =	simm.s32 $0x180;
	p4 =	por p0, p0;
	v31 =	vadd.f32 @p2 v32, v24;
	v29 =	vld.idx.msk @p1 [tilespmem:v29+s0+$0x0], $0xffff;
	v33 =	vsel vm15, $0x0, v0;
	v23 =	vshrl.u32 @p3 v35, $0x10;
	p3 =	por p3, p3  }
0x92: {  	s31 =	simm.s32 $0x100;
	s26 =	simm.s32 $0x1C0;
	v28 =	vld.idx.msk @p1 [tilespmem:v28+s0+$0x0], $0xffff;
	s0 =	simm.s32 $0x200;
	v32 =	vshll.u32 @p4 v26, $0x10;
	v34 =	vand.u32 @p4 $0xFFFF0000, v27;
	v24 =	vand.u32 @p3 $0xFFFF, v35  }
.LBB2_4:
0x93: {  	s11 =	sshra.s32 s0, $0x2;
	v27 =	vshll.u32 @p4 v27, $0x10;
	v26 =	vand.u32 @p4 $0xFFFF0000, v26;
	v34 =	vmul.f32 @p4 v34, v22;
	v35 =	vmovc v17;
	v17 =	vmovc v13  }
0x94: {  	s9 =	spop (v2sf);
	v13 =	vmovc v18;
	v36 =	vmovc v15;
	v15 =	vmov v23;
	v37 =	vmov v19;
	v19 =	vmov v24;
	s2 =	smov.u32 s0;
	s0 =	sadd.s32 $0x40, s0  }
0x95: {  	v18 =	vld [tilespmem:s11+$0x1A400];
	p5 =	sne.s32 s0, $0x1C00;
	p6 =	sgt.f32 s9, $0.0e+00;
	v38 =	vmul.f32 @p4 v26, v14;
	v39 =	vmul.f32 @p4 v27, v17;
	v27 =	vadd.f32 @p2 v31, v30  }
0x96: {  	s9 =	simm.s32 @p3 $0x0;
	v30 =	vshll.u32 @p4 v11, $0x10;
	v11 =	vmovc v9;
	v9 =	vmov v3;
	v3 =	vmov v2;
	v40 =	vld [tilespmem:s11+$0x19600];
	(xrf0) =	vmax.scan.msk.f32 $0xffff, v25  }
0x97: {  	v2 =	vmovc v1;
	v1 =	vmovc v7;
	s16 =	sshra.s32 @!p6 s31, $0x2;
	v41 =	vimm.f32 @!p6 $0.0e+00;
	v26 =	vld.idx.msk @p3 [tilespmem:v23+s9+$0x0], $0xffff;
	v23 =	vmul.f32 @p4 v32, v30;
	v31 =	vpsel !p2, $0x0, v27;
	p2 =	por p1, p1;
	p1 =	por p4, p4  }
0x98: {  	v25 =	vmovc v33;
	[tilespmem:s16+$0x1B200] =	vst @!p6 v41;
	s16 =	sshra.s32 @p6 s31, $0x2;
	v27 =	vld.idx.msk @p3 [tilespmem:v24+s9+$0x0], $0xffff;
	v24 =	vadd.f32 @p1 v38, v34;
	v38 =	vand.u32 @p2 $0xFFFF0000, v29;
	v29 =	vshll.u32 @p2 v29, $0x10;
	s31 =	smov.u32 s28;
	s28 =	smov.u32 s30  }
0x99: {  	v32 =	vand.u32 @p2 $0xFFFF0000, v28;
	v34 =	vld @p6 [tilespmem:s16+$0x18800];
	v23 =	vadd.f32 @p1 v23, v39;
	v33 =	vmul.f32 @p2 v38, v20;
	[tilespmem:s3+$0x1C000] =	vst v31;
	v20 =	vmovc v22;
	s3 =	smov.u32 s5;
	s5 =	smov.u32 s13;
	s13 =	smov.u32 s14  }
0x9a: {  	v22 =	vshll.u32 @p2 v28, $0x10;
	v28 =	vmul.f32 @p2 v32, v16;
	v29 =	vmul.f32 @p2 v29, v35;
	v16 =	vmovc v14;
	s14 =	smov.u32 s15;
	s15 =	smov.u32 s23;
	s23 =	smov.u32 s24;
	v7 =	vmovc v18  }
.Ltmp2:
0x9b: {  	v14 =	vmovc v12;
	v12 =	vshll.u32 @p6 v8, $0x10;
	s24 =	smov.u32 s6;
	s6 =	smov.u32 s11;
	v23 =	vadd.f32 @p1 v23, v24;
	v24 =	vmul.f32 @p2 v22, v21;
	v21 =	vmovc v30;
	(pc) =	sbr.rel @p5 .LBB2_4-.Ltmp2, $4  }
0x9c: {  	p4 =	por p3, p3;
	s30 =	smov.u32 s26;
	s26 =	smov.u32 s2;
	v18 =	vand.u32 @p6 $0xFFFF0000, v9;
	v22 =	vand.u32 @p3 $0xFFFF0000, v10;
	v30 =	vadd.f32 @p2 v28, v33;
	v31, _, _ =	vpop (xrf0)  }
0x9d: {  	s2 =	simm.s32 @p1 $0xC400;
	v28 =	vor.u32 v40, v7;
	v10 =	vmovc v8;
	(v2sf) =	vpush v31, $0xF;
	[tilespmem:s25+$0x1B200] =	vst @p1 v23;
	v31 =	vadd.f32 @p2 v24, v29;
	s25 =	smov.u32 s12;
	s12 =	smov.u32 s16  }
0x9e: {  	v8 =	vmovc v5;
	v5 =	vmovc v4;
	p3 =	por p6, p6;
	vm0 =	veq.s32 v28, $0x0;
	v32 =	vshll.u32 @p4 v26, $0x10;
	v23 =	vshrl.u32 @p6 v34, $0x10;
	v29 =	vld.idx.msk @p1 [tilespmem:v37+s2+$0x0], $0xffff  }
0x9f: {  	v4 =	vmovc v6;
	v6 =	vmovc v40;
	v33 =	vsel vm0, $0x0, v0;
	v24 =	vand.u32 @p3 $0xFFFF, v34;
	v34 =	vand.u32 @p4 $0xFFFF0000, v27;
	v28 =	vld.idx.msk @p1 [tilespmem:v36+s2+$0x0], $0xffff  }
0xa0: {  	(xrf0) =	vmax.scan.msk.f32 $0xffff, v25;
	_ =	sdelay $0x3  }
0xa1: {  	(xrf0) =	vmax.scan.msk.f32 $0xffff, v33  }
0xa2: {  	v26 =	vand.u32 @p4 $0xFFFF0000, v26  }
0xa3: {  	s0 =	spop (v2sf);
	v26 =	vmul.f32 @p4 v26, v14;
	v25, _, _ =	vpop (xrf0)  }
0xa4: {  	p0 =	sgt.f32 s0, $0.0e+00;
	(v2sf) =	vpush v25, $0xF  }
0xa5: {  	v25 =	vshll.u32 @p4 v27, $0x10;
	v27 =	vmul.f32 @p4 v34, v22  }
0xa6: {  	p5 =	por p4, p4;
	v33 =	vshll.u32 @p4 v11, $0x10;
	s0 =	sshra.s32 @!p0 s31, $0x2;
	v11 =	vmul.f32 @p4 v25, v13;
	v25 =	vimm.f32 @!p0 $0.0e+00  }
0xa7: {  	[tilespmem:s0+$0x1B200] =	vst @!p0 v25;
	v25 =	vadd.f32 @p5 v26, v27;
	v26, _, _ =	vpop (xrf0)  }
0xa8: {  	v32 =	vmul.f32 @p4 v32, v33;
	s31 =	sshra.s32 @p0 s31, $0x2;
	(v2sf) =	vpush v26, $0xF  }
0xa9: {  	v30 =	vadd.f32 @p2 v31, v30;
	p1 =	por p1, p1;
	s0 =	simm.s32 @p3 $0x0;
	v27 =	vld @p0 [tilespmem:s31+$0x18800]  }
0xaa: {  	v34 =	vand.u32 @p1 $0xFFFF0000, v28;
	v28 =	vshll.u32 @p1 v28, $0x10;
	v31 =	vadd.f32 @p5 v32, v11;
	v26 =	vld.idx.msk @p3 [tilespmem:v23+s0+$0x0], $0xffff  }
0xab: {  	v21 =	vmul.f32 @p1 v28, v21;
	v11 =	vpsel !p2, $0x0, v30;
	v30 =	vand.u32 @p1 $0xFFFF0000, v29;
	v32 =	vld.idx.msk @p3 [tilespmem:v24+s0+$0x0], $0xffff  }
0xac: {  	v29 =	vshll.u32 @p1 v29, $0x10;
	v20 =	vmul.f32 @p1 v30, v20;
	v25 =	vadd.f32 @p5 v31, v25;
	s16 =	spop (v2sf)  }
0xad: {  	s2 =	simm.s32 @p5 $0xC400;
	v30 =	vmul.f32 @p1 v34, v16;
	v29 =	vmul.f32 @p1 v29, v17;
	v16 =	vshll.u32 @p0 v8, $0x10;
	p4 =	sgt.f32 s16, $0.0e+00  }
0xae: {  	p6 =	por p0, p0;
	p2 =	por p1, p1;
	v17 =	vand.u32 @p0 $0xFFFF0000, v3;
	p1 =	por p3, p3;
	[tilespmem:s25+$0x1B200] =	vst @p5 v25;
	v25 =	vand.u32 @p3 $0xFFFF0000, v10;
	v10 =	vshrl.u32 @p0 v27, $0x10  }
0xaf: {  	v28 =	vld.idx.msk @p5 [tilespmem:v19+s2+$0x0], $0xffff;
	v31 =	vshll.u32 @p1 v26, $0x10;
	v19 =	vand.u32 @p6 $0xFFFF, v27;
	v27 =	vimm.f32 @!p4 $0.0e+00  }
0xb0: {  	v15 =	vld.idx.msk @p5 [tilespmem:v15+s2+$0x0], $0xffff;
	s0 =	sshra.s32 @!p4 s28, $0x2;
	v34 =	vand.u32 @p1 $0xFFFF0000, v32;
	v32 =	vshll.u32 @p1 v32, $0x10;
	v26 =	vand.u32 @p1 $0xFFFF0000, v26  }
0xb1: {  	s25 =	sshra.s32 @p4 s28, $0x2;
	[tilespmem:s0+$0x1B200] =	vst @!p4 v27;
	v27 =	vmul.f32 @p1 v34, v25;
	v26 =	vmul.f32 @p1 v26, v12;
	v34 =	vshll.u32 @p1 v9, $0x10  }
0xb2: {  	v20 =	vadd.f32 @p2 v30, v20;
	p3 =	por p1, p1;
	p0 =	por p2, p2;
	s0 =	simm.s32 @!p2 $0x0;
	v30 =	vmul.f32 @p1 v32, v18;
	v9 =	vld @p4 [tilespmem:s25+$0x18800];
	v31 =	vmul.f32 @p1 v31, v34  }
0xb3: {  	v8 =	vand.u32 @p6 $0xFFFF0000, v8;
	v21 =	vadd.f32 @p0 v21, v29;
	s0 =	simm.s32 @p2 $0x1;
	p2 =	por p5, p5;
	v26 =	vadd.f32 @p3 v26, v27;
	s9 =	spop (v2sf)  }
0xb4: {  	[smem:$0x7FC] =	sst s0;
	s0 =	simm.s32 @p6 $0x0;
	v30 =	vadd.f32 @p3 v31, v30;
	v27 =	vand.u32 @p2 $0xFFFF0000, v28;
	v28 =	vshll.u32 @p2 v28, $0x10;
	p0 =	sgt.f32 s9, $0.0e+00  }
0xb5: {  	v29 =	vld.idx.msk @p6 [tilespmem:v10+s0+$0x0], $0xffff;
	v31 =	vand.u32 @p2 $0xFFFF0000, v15;
	v15 =	vshll.u32 @p2 v15, $0x10;
	v22 =	vmul.f32 @p2 v27, v22  }
0xb6: {  	p5 =	por p4, p4;
	v32 =	vld.idx.msk @p6 [tilespmem:v19+s0+$0x0], $0xffff;
	v14 =	vmul.f32 @p2 v31, v14;
	v26 =	vadd.f32 @p3 v30, v26;
	s0 =	sshra.s32 @!p0 s30, $0x2;
	v30 =	vimm.f32 @!p0 $0.0e+00  }
0xb7: {  	p1 =	por p6, p6;
	v13 =	vmul.f32 @p2 v28, v13;
	v15 =	vmul.f32 @p2 v15, v33;
	v27 =	vshrl.u32 @p4 v9, $0x10;
	s28 =	sshra.s32 @p0 s30, $0x2;
	s11 =	spop (v2sf);
	[tilespmem:s0+$0x1B200] =	vst @!p0 v30  }
0xb8: {  	v31 =	vshll.u32 @p1 v3, $0x10;
	v28 =	vand.u32 @p5 $0xFFFF, v9;
	v14 =	vadd.f32 @p2 v14, v22;
	p6 =	sgt.f32 s11, $0.0e+00;
	v22 =	vld @p0 [tilespmem:s28+$0x18800]  }
0xb9: {  	v33 =	vand.u32 @p4 $0xFFFF0000, v2;
	v9 =	vshll.u32 @p4 v5, $0x10;
	v5 =	vand.u32 @p5 $0xFFFF0000, v5;
	[tilespmem:s12+$0x1B200] =	vst @p3 v26;
	s0 =	simm.s32 @p3 $0xC400  }
0xba: {  	v13 =	vadd.f32 @p2 v15, v13;
	v15 =	vshll.u32 @p1 v29, $0x10;
	v23 =	vld.idx.msk @p3 [tilespmem:v23+s0+$0x0], $0xffff;
	s2 =	sshra.s32 @!p6 s26, $0x2;
	v3 =	vimm.f32 @!p6 $0.0e+00  }
0xbb: {  	v26 =	vand.u32 @p1 $0xFFFF0000, v32;
	v29 =	vand.u32 @p1 $0xFFFF0000, v29;
	v36 =	vshll.u32 @p0 v4, $0x10;
	v24 =	vld.idx.msk @p3 [tilespmem:v24+s0+$0x0], $0xffff;
	s0 =	simm.s32 @p5 $0x0;
	[tilespmem:s2+$0x1B200] =	vst @!p6 v3  }
0xbc: {  	v37 =	vand.u32 @p0 $0xFFFF0000, v1;
	v30 =	vshll.u32 @p1 v32, $0x10;
	v26 =	vmul.f32 @p1 v26, v8;
	v32 =	vld.idx.msk @p5 [tilespmem:v27+s0+$0x0], $0xffff;
	s2 =	sld [smem:$0x7FC]  }
0xbd: {  	v29 =	vmul.f32 @p1 v29, v16;
	v15 =	vmul.f32 @p1 v15, v31;
	v35 =	vld.idx.msk @p5 [tilespmem:v28+s0+$0x0], $0xffff;
	s0 =	sshra.s32 @p6 s26, $0x2;
	v38 =	vshrl.u32 @p0 v22, $0x10;
	p0 =	por p0, p0  }
0xbe: {  	v30 =	vmul.f32 @p1 v30, v17;
	p3 =	por p3, p3;
	p5 =	por p5, p5;
	v3 =	vadd.f32 @p2 v13, v14;
	v39 =	vld @p6 [tilespmem:s0+$0x18800];
	v13 =	vand.u32 @p0 $0xFFFF, v22  }
0xbf: {  	v2 =	vshll.u32 @p5 v2, $0x10;
	p4 =	seq.s32 s2, $0x1;
	v22 =	vand.u32 @p3 $0xFFFF0000, v23;
	v4 =	vand.u32 @p0 $0xFFFF0000, v4  }
0xc0: {  	v20 =	vadd.f32 @p4 v21, v20;
	v21 =	vand.u32 @p3 $0xFFFF0000, v24;
	v12 =	vmul.f32 @p3 v22, v12  }
0xc1: {  	s2 =	simm.s32 @p0 $0x0;
	p4 =	por p1, p1;
	v22 =	vshll.u32 @p5 v32, $0x10;
	v32 =	vand.u32 @p5 $0xFFFF0000, v32;
	v24 =	vshll.u32 @p3 v24, $0x10  }
0xc2: {  	v14 =	vadd.f32 @p4 v29, v26;
	v15 =	vadd.f32 @p4 v15, v30;
	v21 =	vmul.f32 @p3 v21, v25;
	v26 =	vld.idx.msk @p0 [tilespmem:v38+s2+$0x0], $0xffff  }
0xc3: {  	p1 =	por p6, p6;
	v25 =	vand.u32 @p5 $0xFFFF0000, v35;
	v40 =	vshrl.u32 @p6 v39, $0x10;
	v35 =	vshll.u32 @p5 v35, $0x10;
	v41 =	vld.idx.msk @p0 [tilespmem:v13+s2+$0x0], $0xffff  }
0xc4: {  	v39 =	vand.u32 @p1 $0xFFFF, v39;
	v32 =	vmul.f32 @p5 v32, v9;
	v22 =	vmul.f32 @p5 v22, v2  }
0xc5: {  	v29 =	vshll.u32 @p6 v6, $0x10;
	v25 =	vmul.f32 @p5 v25, v5;
	v35 =	vmul.f32 @p5 v35, v33  }
0xc6: {  	v30 =	vand.u32 @p6 $0xFFFF0000, v7;
	v18 =	vmul.f32 @p3 v24, v18;
	p5 =	por p5, p5;
	v14 =	vadd.f32 @p4 v15, v14;
	p0 =	por p0, p0  }
0xc7: {  	s2 =	simm.s32 @p1 $0x0;
	v15 =	vadd.f32 @p5 v32, v25;
	v22 =	vadd.f32 @p5 v22, v35;
	v1 =	vshll.u32 @p0 v1, $0x10  }
0xc8: {  	v25 =	vld.idx.msk @p1 [tilespmem:v40+s2+$0x0], $0xffff;
	v24 =	vshll.u32 @p0 v26, $0x10;
	v26 =	vand.u32 @p0 $0xFFFF0000, v26;
	v32 =	vand.u32 @p0 $0xFFFF0000, v41  }
0xc9: {  	v35 =	vshll.u32 @p0 v41, $0x10;
	v41 =	vld.idx.msk @p1 [tilespmem:v39+s2+$0x0], $0xffff;
	v26 =	vmul.f32 @p0 v26, v36;
	v24 =	vmul.f32 @p0 v24, v1  }
0xca: {  	[tilespmem:s31+$0x1B200] =	vst @p4 v14;
	v14 =	vshll.u32 @p3 v23, $0x10;
	s2 =	simm.s32 @p4 $0xC400;
	v32 =	vmul.f32 @p0 v32, v4;
	v23 =	vmul.f32 @p0 v35, v37  }
0xcb: {  	v6 =	vand.u32 @p1 $0xFFFF0000, v6;
	v12 =	vadd.f32 @p3 v12, v21;
	p6 =	por p0, p0;
	v15 =	vadd.f32 @p5 v22, v15;
	v19 =	vld.idx.msk @p4 [tilespmem:v19+s2+$0x0], $0xffff  }
0xcc: {  	v14 =	vmul.f32 @p3 v14, v34;
	p0 =	por p1, p1;
	v22 =	vadd.f32 @p6 v26, v32;
	v23 =	vadd.f32 @p6 v24, v23  }
0xcd: {  	v10 =	vld.idx.msk @p4 [tilespmem:v10+s2+$0x0], $0xffff;
	v7 =	vshll.u32 @p0 v7, $0x10;
	v24 =	vshll.u32 @p0 v25, $0x10;
	v25 =	vand.u32 @p0 $0xFFFF0000, v25  }
0xce: {  	v25 =	vmul.f32 @p0 v25, v29;
	v26 =	vand.u32 @p0 $0xFFFF0000, v41;
	v22 =	vadd.f32 @p6 v23, v22  }
0xcf: {  	[tilespmem:s25+$0x1B200] =	vst @p5 v15;
	p4 =	por p4, p4;
	v24 =	vmul.f32 @p0 v24, v7;
	v32 =	vshll.u32 @p0 v41, $0x10;
	v15 =	vmul.f32 @p0 v26, v6  }
0xd0: {  	s2 =	simm.s32 @p5 $0xC400;
	v26 =	vmul.f32 @p0 v32, v30;
	v23 =	vand.u32 @p4 $0xFFFF0000, v19;
	v19 =	vshll.u32 @p4 v19, $0x10;
	p0 =	por p0, p0;
	[tilespmem:s28+$0x1B200] =	vst @p6 v22  }
0xd1: {  	v21 =	vld.idx.msk @p5 [tilespmem:v28+s2+$0x0], $0xffff;
	v8 =	vmul.f32 @p4 v23, v8;
	v17 =	vmul.f32 @p4 v19, v17;
	v15 =	vadd.f32 @p0 v25, v15;
	s9 =	sld [smem:$0x7FC]  }
0xd2: {  	v27 =	vld.idx.msk @p5 [tilespmem:v27+s2+$0x0], $0xffff;
	v25 =	vand.u32 @p4 $0xFFFF0000, v10;
	v24 =	vadd.f32 @p0 v24, v26;
	v10 =	vshll.u32 @p4 v10, $0x10  }
0xd3: {  	v16 =	vmul.f32 @p4 v25, v16;
	v10 =	vmul.f32 @p4 v10, v31  }
0xd4: {  	v14 =	vadd.f32 @p3 v14, v18;
	s2 =	simm.s32 @p6 $0xC400;
	v15 =	vadd.f32 @p0 v24, v15;
	p1 =	seq.s32 s9, $0x1  }
0xd5: {  	v13 =	vld.idx.msk @p6 [tilespmem:v13+s2+$0x0], $0xffff;
	v8 =	vadd.f32 @p4 v16, v8;
	v10 =	vadd.f32 @p4 v10, v17;
	v19 =	vpsel !p1, $0x0, v20;
	p1 =	por p5, p5  }
0xd6: {  	v12 =	vadd.f32 @p3 v14, v12;
	v16 =	vld.idx.msk @p6 [tilespmem:v38+s2+$0x0], $0xffff;
	v17 =	vand.u32 @p1 $0xFFFF0000, v21  }
0xd7: {  	[tilespmem:s0+$0x1B200] =	vst @p0 v15;
	s0 =	simm.s32 @p0 $0xC400;
	v18 =	vand.u32 @p1 $0xFFFF0000, v27;
	v8 =	vadd.f32 @p4 v10, v8;
	v10 =	vshll.u32 @p1 v21, $0x10  }
0xd8: {  	v14 =	vld.idx.msk @p0 [tilespmem:v39+s0+$0x0], $0xffff;
	v15 =	vshll.u32 @p1 v27, $0x10;
	v5 =	vmul.f32 @p1 v17, v5;
	v9 =	vmul.f32 @p1 v18, v9  }
0xd9: {  	p5 =	por p6, p6;
	v17 =	vld.idx.msk @p0 [tilespmem:v40+s0+$0x0], $0xffff;
	v10 =	vmul.f32 @p1 v10, v33;
	v2 =	vmul.f32 @p1 v15, v2  }
0xda: {  	v5 =	vadd.f32 @p1 v9, v5;
	v9 =	vand.u32 @p5 $0xFFFF0000, v13  }
0xdb: {  	v13 =	vshll.u32 @p5 v13, $0x10;
	v15 =	vand.u32 @p5 $0xFFFF0000, v16;
	v2 =	vadd.f32 @p1 v2, v10  }
0xdc: {  	p0 =	por p0, p0;
	v4 =	vmul.f32 @p5 v9, v4;
	v9 =	vshll.u32 @p5 v16, $0x10;
	v15 =	vmul.f32 @p5 v15, v36  }
0xdd: {  	v10 =	vmul.f32 @p5 v13, v37;
	v1 =	vmul.f32 @p5 v9, v1;
	v9 =	vand.u32 @p0 $0xFFFF0000, v14  }
0xde: {  	v13 =	vshll.u32 @p0 v14, $0x10;
	v2 =	vadd.f32 @p1 v2, v5;
	v14 =	vand.u32 @p0 $0xFFFF0000, v17  }
0xdf: {  	v6 =	vmul.f32 @p0 v9, v6;
	v9 =	vshll.u32 @p0 v17, $0x10;
	v5 =	vmul.f32 @p0 v13, v30  }
0xe0: {  	v3 =	vpsel !p2, $0x0, v3;
	[tilespmem:s3+$0x1C000] =	vst v11;
	v14 =	vmul.f32 @p0 v14, v29;
	v7 =	vmul.f32 @p0 v9, v7  }
0xe1: {  	[tilespmem:s13+$0x1C000] =	vst v3;
	v3 =	vpsel !p3, $0x0, v12;
	v4 =	vadd.f32 @p5 v15, v4;
	v1 =	vadd.f32 @p5 v1, v10  }
0xe2: {  	[tilespmem:s14+$0x1C000] =	vst v3;
	v6 =	vadd.f32 @p0 v14, v6;
	v5 =	vadd.f32 @p0 v7, v5  }
0xe3: {  	[tilespmem:s5+$0x1C000] =	vst v19;
	v3 =	vpsel !p4, $0x0, v8;
	v1 =	vadd.f32 @p5 v1, v4  }
0xe4: {  	[tilespmem:s15+$0x1C000] =	vst v3;
	v2 =	vpsel !p1, $0x0, v2;
	v3 =	vadd.f32 @p0 v5, v6  }
0xe5: {  	s12 =	sadd.s32 s19, s17;
	[tilespmem:s23+$0x1C000] =	vst v2;
	v1 =	vpsel !p5, $0x0, v1  }
0xe6: {  	s13 =	sadd.s32 s20, s17;
	s0 =	sshrl.u32 s12, $0x3;
	[tilespmem:s24+$0x1C000] =	vst v1;
	v1 =	vpsel !p0, $0x0, v3  }
0xe7: {  	s14 =	simm.s32 $0x1B200;
	s0 =	sadd.s32 s10, s0;
	s15 =	sshrl.u32 s13, $0x3;
	[tilespmem:s6+$0x1C000] =	vst v1  }
0xe8: {  	[hbm4b:s0+s4] =	stream.linear.scatter [tilespmem:s14], [sflag:$0x5], $0x700, $0x38;
	[tilespmem:$0x1CE00] =	vst v63  }
0xe9: {  	s16 =	simm.s32 $0x1C000;
	s0 =	sadd.s32 s10, s15  }
0xea: {  	[hbm4b:s0+s4] =	stream.linear.scatter [tilespmem:s16], [sflag:$0x5], $0x700, $0x38;
	[tilespmem:$0x1CE00] =	vst v63  }
0xeb: {  	p0 =	seq.s32 s21, $0xD;
	s0 =	rddreg [dreg:$0xc]  }
0xec: {  	s0 =	sadd.s32 @!p0 s17, s0  }
0xed: {  	s0 =	sshrl.u32 @!p0 s0, $0x3  }
0xee: {  	s3 =	simm.s32 @!p0 $0x0;
	s5 =	simm.s32 @!p0 $0x18800;
	s2 =	sadd.s32 @!p0 s18, s0  }
0xef: {  	[tilespmem:s5], [sflag:$0x3] =	stream.linear.gather @!p0 [hbm4b:s2+s3], $0x700, $0x38;
	[tilespmem:$0x1CE00] =	vst v63  }
0xf0: {  	s2 =	rddreg [dreg:$0x10]  }
0xf1: {  	s5 =	simm.s32 @!p0 $0x19600;
	s2 =	sadd.s32 @!p0 s2, s0  }
0xf2: {  	[tilespmem:s5], [sflag:$0x3] =	stream.linear.gather @!p0 [hbm4b:s2+s3], $0x700, $0x38;
	[tilespmem:$0x1CE00] =	vst v63  }
0xf3: {  	s0 =	sadd.s32 @!p0 s8, s0;
	s2 =	simm.s32 @!p0 $0x1A400  }
0xf4: {  	[tilespmem:s2], [sflag:$0x3] =	stream.linear.gather @!p0 [hbm4b:s0+s3], $0x700, $0x38;
	[tilespmem:$0x1CE00] =	vst v63  }
0xf5: {  	_ =	swait.ge [sflag:s1], $0x700  }
0xf6: {  	[sflag:s1] =	ssyncset.done $0x0  }
0xf7: {  	[sflag:s1] =	ssyncadd.s32 $0xFFFFF900  }
0xf8: {  	_ =	swait.ge [sflag:s1], $0x700  }
0xf9: {  	[sflag:s1] =	ssyncset.done $0x0  }
0xfa: {  	[sflag:s1] =	ssyncadd.s32 $0xFFFFF900  }
0xfb: {  	_ =	swait.ge [sflag:s1], $0x700  }
0xfc: {  	s31 =	smov.u32 s18;
	s18 =	sld [smem:$0x7FD];
	_ =	sdelay $0x2  }
0xfd: {  	[sflag:s1] =	ssyncset.done $0x0;
	p0 =	seq.s32 s18, $0x1  }
0xfe: {  	[sflag:s1] =	ssyncadd.s32 $0xFFFFF900;
	s0 =	simm.s32 @!p0 $0x6  }
0xff: {  	_ =	swait.ge @!p0 [sflag:s0], $0x700  }
0x100: {  	[sflag:s0] =	ssyncset.done @!p0 $0x0  }
0x101: {  	[sflag:s0] =	ssyncadd.s32 @!p0 $0xFFFFF900  }
0x102: {  	_ =	swait.ge @!p0 [sflag:s0], $0x700  }
0x103: {  	[sflag:s0] =	ssyncset.done @!p0 $0x0  }
0x104: {  	s3 =	simm.s32 $0x0;
	[sflag:s0] =	ssyncadd.s32 @!p0 $0xFFFFF900  }
0x105: {  	v1 =	vld [tilespmem:s3+$0x1AB00]  }
0x106: {  	v2 =	vld [tilespmem:s3+$0x19D00];
	_ =	sdelay $0x4  }
0x107: {  	v3 =	vor.u32 v2, v1  }
0x108: {  	vm0 =	veq.s32 v3, $0x0  }
0x109: {  	v3 =	vsel vm0, $0x0, v0  }
0x10a: {  	(xrf0) =	vmax.scan.msk.f32 $0xffff, v3;
	_ =	sdelay $0x2  }
0x10b: {  	s5 =	simm.s32 $0x10  }
0x10c: {  	v6 =	vld [tilespmem:s5+$0x1AB00]  }
0x10d: {  	v7 =	vld [tilespmem:s5+$0x19D00]  }
0x10e: {  	v3, _, _ =	vpop (xrf0)  }
0x10f: {  	(v2sf) =	vpush v3, $0xF;
	_ =	sdelay $0x2  }
0x110: {  	v3 =	vor.u32 v7, v6  }
0x111: {  	vm9 =	veq.s32 v3, $0x0  }
0x112: {  	s13 =	simm.s32 $0x20;
	v3 =	vsel vm9, $0x0, v0  }
0x113: {  	v11 =	vld [tilespmem:s13+$0x1AB00];
	(xrf0) =	vmax.scan.msk.f32 $0xffff, v3  }
0x114: {  	v22 =	vld [tilespmem:s13+$0x19D00];
	_ =	sdelay $0x4  }
0x115: {  	v4 =	vor.u32 v22, v11;
	v3, _, _ =	vpop (xrf0)  }
0x116: {  	vm10 =	veq.s32 v4, $0x0;
	(v2sf) =	vpush v3, $0xF  }
0x117: {  	v3 =	vsel vm10, $0x0, v0  }
0x118: {  	(xrf0) =	vmax.scan.msk.f32 $0xffff, v3;
	s23 =	spop (v2sf)  }
0x119: {  	p1 =	sgt.f32 s23, $0.0e+00  }
0x11a: {  	s14 =	simm.s32 $0x30  }
0x11b: {  	v9 =	vld [tilespmem:s14+$0x1AB00];
	v3 =	vimm.f32 @!p1 $0.0e+00  }
0x11c: {  	v10 =	vld [tilespmem:s14+$0x19D00]  }
0x11d: {  	s0 =	simm.s32 @!p1 $0x0  }
0x11e: {  	s6 =	simm.s32 @p1 $0x0;
	[tilespmem:s0+$0x1B900] =	vst @!p1 v3;
	v3, _, _ =	vpop (xrf0)  }
0x11f: {  	v4 =	vld @p1 [tilespmem:s6+$0x18F00];
	(v2sf) =	vpush v3, $0xF;
	_ =	sdelay $0x1  }
0x120: {  	v3 =	vor.u32 v10, v9  }
0x121: {  	vm11 =	veq.s32 v3, $0x0  }
0x122: {  	v3 =	vsel vm11, $0x0, v0  }
0x123: {  	v12 =	vshrl.u32 @p1 v4, $0x10;
	(xrf0) =	vmax.scan.msk.f32 $0xffff, v3  }
0x124: {  	s15 =	simm.s32 $0x40;
	p2 =	por p1, p1;
	s24 =	spop (v2sf)  }
0x125: {  	v8 =	vld [tilespmem:s15+$0x19D00];
	v18 =	vand.u32 @p2 $0xFFFF, v4;
	p0 =	sgt.f32 s24, $0.0e+00  }
0x126: {  	v3 =	vld [tilespmem:s15+$0x1AB00]  }
0x127: {  	s2 =	simm.s32 @p2 $0x0;
	s0 =	simm.s32 @!p0 $0x10;
	v4 =	vimm.f32 @!p0 $0.0e+00  }
0x128: {  	[tilespmem:s0+$0x1B900] =	vst @!p0 v4;
	s0 =	simm.s32 @p0 $0x10;
	v13 =	vld.idx.msk @p2 [tilespmem:v12+s2+$0x0], $0xffff  }
0x129: {  	v4 =	vld @p0 [tilespmem:s0+$0x18F00];
	v5, _, _ =	vpop (xrf0)  }
0x12a: {  	v14 =	vld.idx.msk @p2 [tilespmem:v18+s2+$0x0], $0xffff;
	(v2sf) =	vpush v5, $0xF  }
0x12b: {  	v5 =	vor.u32 v8, v3  }
0x12c: {  	v23 =	vshll.u32 @p1 v2, $0x10;
	v24 =	vand.u32 @p1 $0xFFFF0000, v1;
	p1 =	por p2, p2;
	vm12 =	veq.s32 v5, $0x0  }
0x12d: {  	s17 =	simm.s32 $0x50;
	v27 =	vand.u32 @p2 $0xFFFF0000, v2;
	v30 =	vshll.u32 @p1 v1, $0x10;
	p2 =	por p0, p0;
	v15 =	vsel vm12, $0x0, v0;
	s25 =	spop (v2sf)  }
0x12e: {  	v2 =	vld [tilespmem:s17+$0x1AB00];
	v28 =	vshrl.u32 @p0 v4, $0x10;
	v16 =	vshll.u32 @p1 v13, $0x10;
	v29 =	vand.u32 @p2 $0xFFFF, v4;
	p3 =	sgt.f32 s25, $0.0e+00  }
0x12f: {  	s23 =	simm.s32 $0x60;
	v5 =	vld [tilespmem:s17+$0x19D00];
	v4 =	vand.u32 @p1 $0xFFFF0000, v14;
	v14 =	vshll.u32 @p1 v14, $0x10;
	v13 =	vand.u32 @p1 $0xFFFF0000, v13  }
0x130: {  	v1 =	vld [tilespmem:s23+$0x1AB00];
	(xrf0) =	vmax.scan.msk.f32 $0xffff, v15;
	v17 =	vmul.f32 @p1 v4, v27;
	v13 =	vmul.f32 @p1 v13, v23;
	s2 =	simm.s32 @!p3 $0x20;
	v15 =	vimm.f32 @!p3 $0.0e+00  }
0x131: {  	v14 =	vmul.f32 @p1 v14, v24;
	v16 =	vmul.f32 @p1 v16, v30;
	v4 =	vld [tilespmem:s23+$0x19D00];
	s24 =	simm.s32 @p3 $0x20;
	[tilespmem:s2+$0x1B900] =	vst @!p3 v15  }
0x132: {  	p1 =	por p1, p1;
	s2 =	simm.s32 @p2 $0x0;
	v19 =	vld @p3 [tilespmem:s24+$0x18F00]  }
0x133: {  	v13 =	vadd.f32 @p1 v13, v17;
	v14 =	vadd.f32 @p1 v16, v14;
	v21 =	vld.idx.msk @p2 [tilespmem:v28+s2+$0x0], $0xffff  }
0x134: {  	v15 =	vor.u32 v5, v2;
	v26 =	vld.idx.msk @p2 [tilespmem:v29+s2+$0x0], $0xffff  }
0x135: {  	v20 =	vand.u32 @p2 $0xFFFF0000, v7;
	vm13 =	veq.s32 v15, $0x0;
	v15 =	vadd.f32 @p1 v14, v13  }
0x136: {  	v16 =	vshll.u32 @p0 v7, $0x10;
	v17 =	vand.u32 @p0 $0xFFFF0000, v6;
	v25, _, _ =	vpop (xrf0);
	v7 =	vor.u32 v4, v1  }
0x137: {  	v14 =	vshll.u32 @p3 v22, $0x10;
	v13 =	vand.u32 @p3 $0xFFFF0000, v11;
	s2 =	simm.s32 @p1 $0xC400;
	(v2sf) =	vpush v25, $0xF;
	[tilespmem:s6+$0x1B900] =	vst @p1 v15  }
0x138: {  	p0 =	por p2, p2;
	vm14 =	veq.s32 v7, $0x0;
	v31 =	vsel vm13, $0x0, v0;
	v18 =	vld.idx.msk @p1 [tilespmem:v18+s2+$0x0], $0xffff;
	v15 =	vshrl.u32 @p3 v19, $0x10  }
0x139: {  	v25 =	vsel vm14, $0x0, v0;
	v12 =	vld.idx.msk @p1 [tilespmem:v12+s2+$0x0], $0xffff;
	p3 =	por p3, p3;
	v32 =	vshll.u32 @p0 v21, $0x10;
	s26 =	spop (v2sf);
	v7 =	vand.u32 @p0 $0xFFFF0000, v26  }
0x13a: {  	s6 =	simm.s32 $0x70;
	v26 =	vshll.u32 @p0 v26, $0x10;
	v21 =	vand.u32 @p0 $0xFFFF0000, v21;
	v19 =	vand.u32 @p3 $0xFFFF, v19;
	p2 =	sgt.f32 s26, $0.0e+00  }
0x13b: {  	(xrf0) =	vmax.scan.msk.f32 $0xffff, v31;
	p1 =	por p1, p1;
	v33 =	vmul.f32 @p0 v7, v20;
	v7 =	vld [tilespmem:s6+$0x1AB00];
	v34 =	vmul.f32 @p0 v21, v16;
	v21 =	vshll.u32 @p0 v6, $0x10  }
0x13c: {  	s2 =	simm.s32 @p3 $0x0;
	v31 =	vmul.f32 @p0 v26, v17;
	v6 =	vld [tilespmem:s6+$0x19D00];
	v32 =	vmul.f32 @p0 v32, v21;
	p0 =	por p0, p0;
	s9 =	simm.s32 @!p2 $0x30;
	v35 =	vimm.f32 @!p2 $0.0e+00  }
0x13d: {  	v22 =	vand.u32 @p3 $0xFFFF0000, v22;
	s12 =	simm.s32 @p2 $0x30;
	v33 =	vadd.f32 @p0 v34, v33;
	v34 =	vand.u32 @p1 $0xFFFF0000, v18;
	[tilespmem:s9+$0x1B900] =	vst @!p2 v35;
	v26 =	vld.idx.msk @p3 [tilespmem:v15+s2+$0x0], $0xffff  }
0x13e: {  	v18 =	vshll.u32 @p1 v18, $0x10;
	v31 =	vadd.f32 @p0 v32, v31;
	v32 =	vand.u32 @p1 $0xFFFF0000, v12;
	v35 =	vld @p2 [tilespmem:s12+$0x18F00]  }
0x13f: {  	v36 =	vshll.u32 @p1 v12, $0x10;
	v34 =	vmul.f32 @p1 v34, v27;
	v23 =	vmul.f32 @p1 v32, v23;
	v27 =	vld.idx.msk @p3 [tilespmem:v19+s2+$0x0], $0xffff  }
0x140: {  	v24 =	vmul.f32 @p1 v18, v24;
	v12 =	vshll.u32 @p2 v10, $0x10;
	v31 =	vadd.f32 @p0 v31, v33  }
0x141: {  	v63, _, _ =	vpop (xrf0);
	v32 =	vmul.f32 @p1 v36, v30;
	v30 =	vadd.f32 @p1 v23, v34;
	v23 =	vor.u32 v6, v7  }
0x142: {  	s30 =	simm.s32 $0x100;
	v18 =	vand.u32 @p2 $0xFFFF0000, v9;
	(v2sf) =	vpush v63, $0xF;
	[tilespmem:s0+$0x1B900] =	vst @p0 v31;
	s0 =	simm.s32 @p0 $0xC400;
	vm15 =	veq.s32 v23, $0x0  }
0x143: {  	s28 =	simm.s32 $0x180;
	p3 =	por p3, p3;
	v31 =	vadd.f32 @p1 v32, v24;
	v29 =	vld.idx.msk @p0 [tilespmem:v29+s0+$0x0], $0xffff;
	v33 =	vsel vm15, $0x0, v0;
	v23 =	vshrl.u32 @p2 v35, $0x10;
	p2 =	por p2, p2  }
0x144: {  	s25 =	simm.s32 $0x1C0;
	s26 =	simm.s32 $0x140;
	v28 =	vld.idx.msk @p0 [tilespmem:v28+s0+$0x0], $0xffff;
	s0 =	simm.s32 $0x200;
	v32 =	vshll.u32 @p3 v26, $0x10;
	v24 =	vand.u32 @p2 $0xFFFF, v35;
	v34 =	vand.u32 @p3 $0xFFFF0000, v27  }
.LBB2_6:
0x145: {  	s11 =	sshra.s32 s0, $0x2;
	v27 =	vshll.u32 @p3 v27, $0x10;
	v26 =	vand.u32 @p3 $0xFFFF0000, v26;
	v34 =	vmul.f32 @p3 v34, v22;
	v35 =	vmovc v17;
	v17 =	vmovc v13  }
0x146: {  	s9 =	spop (v2sf);
	v13 =	vmovc v18;
	v36 =	vmovc v15;
	v15 =	vmov v23;
	v37 =	vmov v19;
	v19 =	vmov v24;
	s2 =	smov.u32 s0;
	s0 =	sadd.s32 $0x40, s0  }
0x147: {  	v18 =	vld [tilespmem:s11+$0x1AB00];
	p4 =	sne.s32 s0, $0x1C00;
	p5 =	sgt.f32 s9, $0.0e+00;
	v38 =	vmul.f32 @p3 v26, v14;
	v39 =	vmul.f32 @p3 v27, v17;
	v27 =	vadd.f32 @p1 v31, v30  }
0x148: {  	s9 =	simm.s32 @p2 $0x0;
	v30 =	vshll.u32 @p3 v11, $0x10;
	v11 =	vmovc v9;
	v9 =	vmov v3;
	v3 =	vmov v2;
	v40 =	vld [tilespmem:s11+$0x19D00];
	(xrf0) =	vmax.scan.msk.f32 $0xffff, v25  }
0x149: {  	v2 =	vmovc v1;
	v1 =	vmovc v7;
	s16 =	sshra.s32 @!p5 s30, $0x2;
	v41 =	vimm.f32 @!p5 $0.0e+00;
	v26 =	vld.idx.msk @p2 [tilespmem:v23+s9+$0x0], $0xffff;
	v23 =	vmul.f32 @p3 v32, v30;
	v31 =	vpsel !p1, $0x0, v27;
	p1 =	por p0, p0;
	p0 =	por p3, p3  }
0x14a: {  	v25 =	vmovc v33;
	[tilespmem:s16+$0x1B900] =	vst @!p5 v41;
	s16 =	sshra.s32 @p5 s30, $0x2;
	v27 =	vld.idx.msk @p2 [tilespmem:v24+s9+$0x0], $0xffff;
	v24 =	vadd.f32 @p0 v38, v34;
	v38 =	vand.u32 @p1 $0xFFFF0000, v29;
	v29 =	vshll.u32 @p1 v29, $0x10;
	s30 =	smov.u32 s26;
	s26 =	smov.u32 s28  }
0x14b: {  	v32 =	vand.u32 @p1 $0xFFFF0000, v28;
	v34 =	vld @p5 [tilespmem:s16+$0x18F00];
	v23 =	vadd.f32 @p0 v23, v39;
	v33 =	vmul.f32 @p1 v38, v20;
	[tilespmem:s3+$0x1C700] =	vst v31;
	v20 =	vmovc v22;
	s3 =	smov.u32 s5;
	s5 =	smov.u32 s13;
	s13 =	smov.u32 s14  }
0x14c: {  	v22 =	vshll.u32 @p1 v28, $0x10;
	v28 =	vmul.f32 @p1 v32, v16;
	v29 =	vmul.f32 @p1 v29, v35;
	v16 =	vmovc v14;
	s14 =	smov.u32 s15;
	s15 =	smov.u32 s17;
	s17 =	smov.u32 s23;
	v7 =	vmovc v18  }
.Ltmp3:
0x14d: {  	v14 =	vmovc v12;
	v12 =	vshll.u32 @p5 v8, $0x10;
	s23 =	smov.u32 s6;
	s6 =	smov.u32 s11;
	v23 =	vadd.f32 @p0 v23, v24;
	v24 =	vmul.f32 @p1 v22, v21;
	v21 =	vmovc v30;
	(pc) =	sbr.rel @p4 .LBB2_6-.Ltmp3, $4  }
0x14e: {  	p3 =	por p2, p2;
	s28 =	smov.u32 s25;
	s25 =	smov.u32 s2;
	v18 =	vand.u32 @p5 $0xFFFF0000, v9;
	v22 =	vand.u32 @p2 $0xFFFF0000, v10;
	v30 =	vadd.f32 @p1 v28, v33;
	v31, _, _ =	vpop (xrf0)  }
0x14f: {  	s2 =	simm.s32 @p0 $0xC400;
	v28 =	vor.u32 v40, v7;
	v10 =	vmovc v8;
	(v2sf) =	vpush v31, $0xF;
	[tilespmem:s24+$0x1B900] =	vst @p0 v23;
	v31 =	vadd.f32 @p1 v24, v29;
	s24 =	smov.u32 s12;
	s12 =	smov.u32 s16  }
0x150: {  	v8 =	vmovc v5;
	v5 =	vmovc v4;
	p2 =	por p5, p5;
	vm0 =	veq.s32 v28, $0x0;
	v32 =	vshll.u32 @p3 v26, $0x10;
	v23 =	vshrl.u32 @p5 v34, $0x10;
	v29 =	vld.idx.msk @p0 [tilespmem:v37+s2+$0x0], $0xffff  }
0x151: {  	v4 =	vmovc v6;
	v6 =	vmovc v40;
	v33 =	vsel vm0, $0x0, v0;
	v24 =	vand.u32 @p2 $0xFFFF, v34;
	v34 =	vand.u32 @p3 $0xFFFF0000, v27;
	v28 =	vld.idx.msk @p0 [tilespmem:v36+s2+$0x0], $0xffff  }
0x152: {  	(xrf0) =	vmax.scan.msk.f32 $0xffff, v25;
	_ =	sdelay $0x4  }
0x153: {  	(xrf0) =	vmax.scan.msk.f32 $0xffff, v33  }
0x154: {  	s0 =	spop (v2sf);
	v25, _, _ =	vpop (xrf0)  }
0x155: {  	v26 =	vand.u32 @p3 $0xFFFF0000, v26;
	p5 =	sgt.f32 s0, $0.0e+00;
	(v2sf) =	vpush v25, $0xF  }
0x156: {  	v26 =	vmul.f32 @p3 v26, v14;
	v33 =	vshll.u32 @p3 v11, $0x10;
	v25 =	vshll.u32 @p3 v27, $0x10  }
0x157: {  	s0 =	sshra.s32 @!p5 s30, $0x2;
	v27 =	vmul.f32 @p3 v34, v22;
	v11 =	vmul.f32 @p3 v25, v13;
	v25 =	vimm.f32 @!p5 $0.0e+00  }
0x158: {  	p4 =	por p3, p3;
	s30 =	sshra.s32 @p5 s30, $0x2;
	[tilespmem:s0+$0x1B900] =	vst @!p5 v25  }
0x159: {  	v30 =	vadd.f32 @p1 v31, v30;
	v32 =	vmul.f32 @p3 v32, v33;
	v61, _, _ =	vpop (xrf0);
	v25 =	vadd.f32 @p4 v26, v27;
	s0 =	simm.s32 @p2 $0x0;
	v27 =	vld @p5 [tilespmem:s30+$0x18F00]  }
0x15a: {  	p3 =	por p0, p0;
	(v2sf) =	vpush v61, $0xF;
	v26 =	vld.idx.msk @p2 [tilespmem:v23+s0+$0x0], $0xffff  }
0x15b: {  	v62 =	vpsel !p1, $0x0, v30;
	v30 =	vand.u32 @p3 $0xFFFF0000, v29;
	v31 =	vadd.f32 @p4 v32, v11;
	v32 =	vld.idx.msk @p2 [tilespmem:v24+s0+$0x0], $0xffff  }
0x15c: {  	v29 =	vshll.u32 @p3 v29, $0x10;
	v34 =	vand.u32 @p3 $0xFFFF0000, v28;
	v28 =	vshll.u32 @p3 v28, $0x10;
	s2 =	simm.s32 @!p3 $0x0  }
0x15d: {  	v20 =	vmul.f32 @p3 v30, v20;
	v30 =	vmul.f32 @p3 v34, v16;
	s2 =	simm.s32 @p3 $0x1;
	v25 =	vadd.f32 @p4 v31, v25  }
0x15e: {  	v29 =	vmul.f32 @p3 v29, v17;
	v16 =	vshll.u32 @p5 v8, $0x10;
	v21 =	vmul.f32 @p3 v28, v21;
	[smem:$0x7FB] =	sst s2;
	s11 =	spop (v2sf)  }
0x15f: {  	v17 =	vand.u32 @p5 $0xFFFF0000, v3;
	s2 =	simm.s32 @p4 $0xC400;
	p0 =	sgt.f32 s11, $0.0e+00;
	[tilespmem:s24+$0x1B900] =	vst @p4 v25;
	v25 =	vand.u32 @p2 $0xFFFF0000, v10;
	p2 =	por p2, p2;
	v10 =	vshrl.u32 @p5 v27, $0x10  }
0x160: {  	v28 =	vld.idx.msk @p4 [tilespmem:v19+s2+$0x0], $0xffff;
	p5 =	por p5, p5;
	v31 =	vshll.u32 @p2 v26, $0x10;
	v34 =	vand.u32 @p2 $0xFFFF0000, v32;
	v32 =	vshll.u32 @p2 v32, $0x10  }
0x161: {  	v15 =	vld.idx.msk @p4 [tilespmem:v15+s2+$0x0], $0xffff;
	s0 =	sshra.s32 @!p0 s26, $0x2;
	v26 =	vand.u32 @p2 $0xFFFF0000, v26;
	v19 =	vand.u32 @p5 $0xFFFF, v27;
	v27 =	vimm.f32 @!p0 $0.0e+00  }
0x162: {  	s24 =	sshra.s32 @p0 s26, $0x2;
	v26 =	vmul.f32 @p2 v26, v12;
	[tilespmem:s0+$0x1B900] =	vst @!p0 v27;
	v27 =	vmul.f32 @p2 v34, v25;
	v34 =	vshll.u32 @p2 v9, $0x10  }
0x163: {  	v20 =	vadd.f32 @p3 v30, v20;
	v30 =	vmul.f32 @p2 v32, v18;
	v9 =	vld @p0 [tilespmem:s24+$0x18F00];
	v31 =	vmul.f32 @p2 v31, v34;
	p2 =	por p2, p2  }
0x164: {  	p1 =	por p4, p4;
	v21 =	vadd.f32 @p3 v21, v29;
	v8 =	vand.u32 @p5 $0xFFFF0000, v8;
	v26 =	vadd.f32 @p2 v26, v27;
	s16 =	spop (v2sf)  }
0x165: {  	s0 =	simm.s32 @p5 $0x0;
	v27 =	vand.u32 @p1 $0xFFFF0000, v28;
	v28 =	vshll.u32 @p1 v28, $0x10;
	v30 =	vadd.f32 @p2 v31, v30;
	p6 =	sgt.f32 s16, $0.0e+00  }
0x166: {  	v29 =	vld.idx.msk @p5 [tilespmem:v10+s0+$0x0], $0xffff;
	v31 =	vand.u32 @p1 $0xFFFF0000, v15;
	v15 =	vshll.u32 @p1 v15, $0x10;
	v22 =	vmul.f32 @p1 v27, v22  }
0x167: {  	v32 =	vld.idx.msk @p5 [tilespmem:v19+s0+$0x0], $0xffff;
	v14 =	vmul.f32 @p1 v31, v14;
	v26 =	vadd.f32 @p2 v30, v26;
	s0 =	sshra.s32 @!p6 s28, $0x2;
	v30 =	vimm.f32 @!p6 $0.0e+00  }
0x168: {  	p4 =	por p0, p0;
	p3 =	por p5, p5;
	v13 =	vmul.f32 @p1 v28, v13;
	v15 =	vmul.f32 @p1 v15, v33;
	v27 =	vshrl.u32 @p0 v9, $0x10;
	s26 =	sshra.s32 @p6 s28, $0x2;
	[tilespmem:s0+$0x1B900] =	vst @!p6 v30  }
0x169: {  	v31 =	vshll.u32 @p3 v3, $0x10;
	v28 =	vand.u32 @p4 $0xFFFF, v9;
	v14 =	vadd.f32 @p1 v14, v22;
	s18 =	spop (v2sf);
	v22 =	vld @p6 [tilespmem:s26+$0x18F00]  }
0x16a: {  	v33 =	vand.u32 @p0 $0xFFFF0000, v2;
	v9 =	vshll.u32 @p0 v5, $0x10;
	v13 =	vadd.f32 @p1 v15, v13;
	[tilespmem:s12+$0x1B900] =	vst @p2 v26;
	p5 =	sgt.f32 s18, $0.0e+00;
	s0 =	simm.s32 @p2 $0xC400  }
0x16b: {  	v5 =	vand.u32 @p4 $0xFFFF0000, v5;
	v15 =	vshll.u32 @p3 v29, $0x10;
	v29 =	vand.u32 @p3 $0xFFFF0000, v29;
	v24 =	vld.idx.msk @p2 [tilespmem:v24+s0+$0x0], $0xffff  }
0x16c: {  	v36 =	vshll.u32 @p6 v4, $0x10;
	v26 =	vand.u32 @p3 $0xFFFF0000, v32;
	s2 =	sshra.s32 @!p5 s25, $0x2;
	v3 =	vimm.f32 @!p5 $0.0e+00;
	v23 =	vld.idx.msk @p2 [tilespmem:v23+s0+$0x0], $0xffff;
	s0 =	simm.s32 @p4 $0x0  }
0x16d: {  	v30 =	vshll.u32 @p3 v32, $0x10;
	v29 =	vmul.f32 @p3 v29, v16;
	v15 =	vmul.f32 @p3 v15, v31;
	[tilespmem:s2+$0x1B900] =	vst @!p5 v3;
	v32 =	vld.idx.msk @p4 [tilespmem:v27+s0+$0x0], $0xffff  }
0x16e: {  	p0 =	por p6, p6;
	v26 =	vmul.f32 @p3 v26, v8;
	v30 =	vmul.f32 @p3 v30, v17;
	v35 =	vld.idx.msk @p4 [tilespmem:v28+s0+$0x0], $0xffff;
	s0 =	sshra.s32 @p5 s25, $0x2;
	s2 =	sld [smem:$0x7FB];
	v38 =	vshrl.u32 @p6 v22, $0x10  }
0x16f: {  	v37 =	vand.u32 @p6 $0xFFFF0000, v1;
	v3 =	vadd.f32 @p1 v13, v14;
	p3 =	por p3, p3;
	v39 =	vld @p5 [tilespmem:s0+$0x18F00];
	v13 =	vand.u32 @p0 $0xFFFF, v22  }
0x170: {  	v4 =	vand.u32 @p0 $0xFFFF0000, v4;
	p2 =	por p2, p2;
	p4 =	por p4, p4;
	v14 =	vadd.f32 @p3 v29, v26;
	v15 =	vadd.f32 @p3 v15, v30  }
0x171: {  	v29 =	vshll.u32 @p5 v6, $0x10;
	v2 =	vshll.u32 @p4 v2, $0x10;
	p6 =	seq.s32 s2, $0x1;
	v22 =	vand.u32 @p2 $0xFFFF0000, v23  }
0x172: {  	s2 =	simm.s32 @p0 $0x0;
	v20 =	vadd.f32 @p6 v21, v20;
	v21 =	vand.u32 @p2 $0xFFFF0000, v24;
	v12 =	vmul.f32 @p2 v22, v12  }
0x173: {  	v22 =	vshll.u32 @p4 v32, $0x10;
	v32 =	vand.u32 @p4 $0xFFFF0000, v32;
	v21 =	vmul.f32 @p2 v21, v25;
	v26 =	vld.idx.msk @p0 [tilespmem:v38+s2+$0x0], $0xffff  }
0x174: {  	p6 =	por p5, p5;
	v25 =	vand.u32 @p4 $0xFFFF0000, v35;
	v40 =	vshrl.u32 @p5 v39, $0x10;
	v35 =	vshll.u32 @p4 v35, $0x10;
	v41 =	vld.idx.msk @p0 [tilespmem:v13+s2+$0x0], $0xffff  }
0x175: {  	v39 =	vand.u32 @p6 $0xFFFF, v39;
	v32 =	vmul.f32 @p4 v32, v9;
	v22 =	vmul.f32 @p4 v22, v2  }
0x176: {  	v24 =	vshll.u32 @p2 v24, $0x10;
	v25 =	vmul.f32 @p4 v25, v5;
	v35 =	vmul.f32 @p4 v35, v33  }
0x177: {  	v30 =	vand.u32 @p5 $0xFFFF0000, v7;
	v14 =	vadd.f32 @p3 v15, v14;
	v18 =	vmul.f32 @p2 v24, v18;
	p4 =	por p4, p4;
	p0 =	por p0, p0  }
0x178: {  	s2 =	simm.s32 @p6 $0x0;
	v15 =	vadd.f32 @p4 v32, v25;
	v22 =	vadd.f32 @p4 v22, v35;
	v1 =	vshll.u32 @p0 v1, $0x10  }
0x179: {  	v25 =	vld.idx.msk @p6 [tilespmem:v40+s2+$0x0], $0xffff;
	v24 =	vshll.u32 @p0 v26, $0x10;
	v32 =	vand.u32 @p0 $0xFFFF0000, v41;
	v26 =	vand.u32 @p0 $0xFFFF0000, v26  }
0x17a: {  	v35 =	vshll.u32 @p0 v41, $0x10;
	v41 =	vld.idx.msk @p6 [tilespmem:v39+s2+$0x0], $0xffff;
	v32 =	vmul.f32 @p0 v32, v4;
	v26 =	vmul.f32 @p0 v26, v36  }
0x17b: {  	[tilespmem:s30+$0x1B900] =	vst @p3 v14;
	v14 =	vshll.u32 @p2 v23, $0x10;
	s2 =	simm.s32 @p3 $0xC400;
	v23 =	vmul.f32 @p0 v35, v37;
	v24 =	vmul.f32 @p0 v24, v1  }
0x17c: {  	v14 =	vmul.f32 @p2 v14, v34;
	v12 =	vadd.f32 @p2 v12, v21;
	p5 =	por p0, p0;
	v15 =	vadd.f32 @p4 v22, v15;
	v19 =	vld.idx.msk @p3 [tilespmem:v19+s2+$0x0], $0xffff  }
0x17d: {  	v6 =	vand.u32 @p6 $0xFFFF0000, v6;
	p0 =	por p6, p6;
	v22 =	vadd.f32 @p5 v26, v32;
	v23 =	vadd.f32 @p5 v24, v23  }
0x17e: {  	v10 =	vld.idx.msk @p3 [tilespmem:v10+s2+$0x0], $0xffff;
	v7 =	vshll.u32 @p0 v7, $0x10;
	v24 =	vshll.u32 @p0 v25, $0x10;
	v25 =	vand.u32 @p0 $0xFFFF0000, v25  }
0x17f: {  	v25 =	vmul.f32 @p0 v25, v29;
	v26 =	vand.u32 @p0 $0xFFFF0000, v41;
	v22 =	vadd.f32 @p5 v23, v22  }
0x180: {  	[tilespmem:s24+$0x1B900] =	vst @p4 v15;
	p3 =	por p3, p3;
	v24 =	vmul.f32 @p0 v24, v7;
	v32 =	vshll.u32 @p0 v41, $0x10;
	v15 =	vmul.f32 @p0 v26, v6  }
0x181: {  	s2 =	simm.s32 @p4 $0xC400;
	p6 =	por p0, p0;
	v26 =	vmul.f32 @p0 v32, v30;
	v23 =	vand.u32 @p3 $0xFFFF0000, v19;
	v19 =	vshll.u32 @p3 v19, $0x10;
	[tilespmem:s26+$0x1B900] =	vst @p5 v22  }
0x182: {  	v21 =	vld.idx.msk @p4 [tilespmem:v28+s2+$0x0], $0xffff;
	v8 =	vmul.f32 @p3 v23, v8;
	v17 =	vmul.f32 @p3 v19, v17;
	v15 =	vadd.f32 @p6 v25, v15;
	s9 =	sld [smem:$0x7FB]  }
0x183: {  	v25 =	vld.idx.msk @p4 [tilespmem:v27+s2+$0x0], $0xffff;
	v24 =	vadd.f32 @p6 v24, v26;
	v26 =	vand.u32 @p3 $0xFFFF0000, v10;
	v10 =	vshll.u32 @p3 v10, $0x10  }
0x184: {  	v16 =	vmul.f32 @p3 v26, v16;
	v10 =	vmul.f32 @p3 v10, v31  }
0x185: {  	v14 =	vadd.f32 @p2 v14, v18;
	s2 =	simm.s32 @p5 $0xC400;
	v15 =	vadd.f32 @p6 v24, v15;
	p0 =	seq.s32 s9, $0x1  }
0x186: {  	v13 =	vld.idx.msk @p5 [tilespmem:v13+s2+$0x0], $0xffff;
	v8 =	vadd.f32 @p3 v16, v8;
	v10 =	vadd.f32 @p3 v10, v17;
	v63 =	vpsel !p0, $0x0, v20;
	p0 =	por p4, p4  }
0x187: {  	v12 =	vadd.f32 @p2 v14, v12;
	v16 =	vld.idx.msk @p5 [tilespmem:v38+s2+$0x0], $0xffff;
	v17 =	vand.u32 @p0 $0xFFFF0000, v21  }
0x188: {  	[tilespmem:s0+$0x1B900] =	vst @p6 v15;
	s0 =	simm.s32 @p6 $0xC400;
	v18 =	vand.u32 @p0 $0xFFFF0000, v25;
	v8 =	vadd.f32 @p3 v10, v8;
	v10 =	vshll.u32 @p0 v21, $0x10  }
0x189: {  	v14 =	vld.idx.msk @p6 [tilespmem:v39+s0+$0x0], $0xffff;
	v15 =	vshll.u32 @p0 v25, $0x10;
	v5 =	vmul.f32 @p0 v17, v5;
	v9 =	vmul.f32 @p0 v18, v9  }
0x18a: {  	p4 =	por p5, p5;
	v17 =	vld.idx.msk @p6 [tilespmem:v40+s0+$0x0], $0xffff;
	v10 =	vmul.f32 @p0 v10, v33;
	v2 =	vmul.f32 @p0 v15, v2  }
0x18b: {  	v5 =	vadd.f32 @p0 v9, v5;
	v9 =	vand.u32 @p4 $0xFFFF0000, v13  }
0x18c: {  	v13 =	vshll.u32 @p4 v13, $0x10;
	v15 =	vand.u32 @p4 $0xFFFF0000, v16;
	v2 =	vadd.f32 @p0 v2, v10  }
0x18d: {  	p5 =	por p6, p6;
	v4 =	vmul.f32 @p4 v9, v4;
	v9 =	vshll.u32 @p4 v16, $0x10;
	v15 =	vmul.f32 @p4 v15, v36  }
0x18e: {  	v10 =	vmul.f32 @p4 v13, v37;
	v1 =	vmul.f32 @p4 v9, v1;
	v9 =	vand.u32 @p5 $0xFFFF0000, v14  }
0x18f: {  	v13 =	vshll.u32 @p5 v14, $0x10;
	v2 =	vadd.f32 @p0 v2, v5;
	v14 =	vand.u32 @p5 $0xFFFF0000, v17  }
0x190: {  	v6 =	vmul.f32 @p5 v9, v6;
	v9 =	vshll.u32 @p5 v17, $0x10;
	v5 =	vmul.f32 @p5 v13, v30  }
0x191: {  	v3 =	vpsel !p1, $0x0, v3;
	[tilespmem:s3+$0x1C700] =	vst v62;
	v14 =	vmul.f32 @p5 v14, v29;
	v7 =	vmul.f32 @p5 v9, v7  }
0x192: {  	[tilespmem:s13+$0x1C700] =	vst v3;
	v3 =	vpsel !p2, $0x0, v12;
	v4 =	vadd.f32 @p4 v15, v4;
	v1 =	vadd.f32 @p4 v1, v10  }
0x193: {  	[tilespmem:s14+$0x1C700] =	vst v3;
	v6 =	vadd.f32 @p5 v14, v6;
	v5 =	vadd.f32 @p5 v7, v5  }
0x194: {  	[tilespmem:s5+$0x1C700] =	vst v63;
	v3 =	vpsel !p3, $0x0, v8;
	v1 =	vadd.f32 @p4 v1, v4  }
0x195: {  	s21 =	sadd.s32 $0x1, s21;
	[tilespmem:s15+$0x1C700] =	vst v3;
	v2 =	vpsel !p0, $0x0, v2;
	v3 =	vadd.f32 @p5 v5, v6  }
0x196: {  	s24 =	sadd.s32 s19, s22;
	p0 =	sne.s32 s21, $0xE;
	[tilespmem:s17+$0x1C700] =	vst v2;
	v1 =	vpsel !p4, $0x0, v1  }
.Ltmp4:
0x197: {  	s25 =	sadd.s32 s20, s22;
	s0 =	sshrl.u32 s24, $0x3;
	[tilespmem:s23+$0x1C700] =	vst v1;
	v1 =	vpsel !p5, $0x0, v3;
	(pc) =	sbr.rel @p0 .LBB2_3-.Ltmp4, $4  }
0x198: {  	s28 =	sshrl.u32 s25, $0x3;
	s26 =	simm.s32 $0x1B900;
	s0 =	sadd.s32 s10, s0;
	[tilespmem:s6+$0x1C700] =	vst v1  }
0x199: {  	[hbm4b:s0+s4] =	stream.linear.scatter [tilespmem:s26], [sflag:$0x6], $0x700, $0x38;
	[tilespmem:$0x1CE00] =	vst v63  }
0x19a: {  	s30 =	simm.s32 $0x1C700;
	s6 =	smov.u32 s7;
	s0 =	sadd.s32 s10, s28  }
0x19b: {  	[hbm4b:s0+s4] =	stream.linear.scatter [tilespmem:s30], [sflag:$0x6], $0x700, $0x38;
	[tilespmem:$0x1CE00] =	vst v63  }
0x19c: {  	p0 =	seq.s32 s6, $0xB  }
.Ltmp5:
0x19d: {  	_ = 	snop;
	(pc) =	sbr.rel @p0 .LBB2_10-.Ltmp5, $1  }
0x19e: {  	_ =	sdelay $0x3  }
0x19f: {  	s0 =	rddreg [dreg:$0x9]  }
0x1a0: {  	s25 =	rddreg [dreg:$0xd]  }
0x1a1: {  	s2 =	simm.s32 $0x18800;
	s26 =	rddreg [dreg:$0x11]  }
0x1a2: {  	[tilespmem:s2], [sflag:$0x3] =	stream.linear.gather [hbm4b:s0+s4], $0x700, $0x38;
	[tilespmem:$0x1CE00] =	vst v63  }
0x1a3: {  	s0 =	sadd.s32 s26, s25  }
0x1a4: {  	s23 =	rddreg [dreg:$0xa];
	s24 =	simm.s32 $0x19600;
	s2 =	smul.u32 $0x1880, s0  }
0x1a5: {  	[tilespmem:s24], [sflag:$0x3] =	stream.linear.gather [hbm4b:s23+s4], $0x700, $0x38;
	[tilespmem:$0x1CE00] =	vst v63  }
0x1a6: {  	s3 =	rddreg [dreg:$0xb];
	s5 =	simm.s32 $0x1A400;
	s0 =	smul.u32 $0xC400, s0  }
0x1a7: {  	[tilespmem:s5], [sflag:$0x3] =	stream.linear.gather [hbm4b:s3+s4], $0x700, $0x38;
	[tilespmem:$0x1CE00] =	vst v63  }
.Ltmp6:
0x1a8: {  	s28 =	rddreg [dreg:$0x5];
	s0 =	sshrl.u32 s0, $0x3;
	(pc) =	sbr.rel .LBB2_2-.Ltmp6, $4  }
0x1a9: {  	s2 =	sadd.s32 s28, s2;
	s0 =	sadd.s32 s28, s0  }
0x1aa: {  	[tilespmem:s4], [sflag:$0x1] =	stream.linear.gather [hbm4b:s2+s4], $0xC400, $0x38;
	[tilespmem:$0x1CE00] =	vst v63  }
0x1ab: {  	s30 =	simm.s32 $0xC400;
	s6 =	sadd.s32 $0x1, s6;
	s0 =	sadd.s32 $0x1880, s0  }
0x1ac: {  	[tilespmem:s30], [sflag:$0x2] =	stream.linear.gather [hbm4b:s0+s4], $0xC400, $0x38;
	[tilespmem:$0x1CE00] =	vst v63  }
.LBB2_11:
0x1ad: {  	_ =	sfence.sel $0x180000  }
0x1ae: {  	[bflag:$0x0] =	sbarrier.arrive $0xFFFF  }
0x1af: {  	_ =	strace $0x90000047  }
0x1b0: {  	s0 =	stileid.u32;
	[bflag:$0x2] =	sbarrier.arrive $0xFFFF  }
0x1b1: {  	p0 =	sne.s32 s0, $0x0;
	s0 =	rddreg [dreg:$0x2]  }
0x1b2: {  	s0 =	sadd.s32 @!p0 $0x100000, s0  }
0x1b3: {  	[sflag:s0] =	ssyncadd.tile.s32 @!p0 $0x1;
	_ =	shalt  }
.Lfunc_end2:
_tile_overlayer_lowered:
.L_overlay_start_2:
0x1b4: {  	(tag) =	ssettag $0x2  }
0x1b5: {  	s0 =	rddreg [dreg:$0x0];
	s2 =	stileid.u32  }
0x1b6: {  	s1 =	rddreg [dreg:$0x1];
	p0 =	sne.s32 s2, $0x0  }
0x1b7: {  	s3 =	rddreg [dreg:$0x2];
	[bflag:$0x3] =	sbarrier.arrive $0xFFFF;
	s2 =	simm.s32 @!p0 $0x1C07  }
0x1b8: {  	[timem:s3], [sflag:s2] =	dma.local @!p0 [hbm:s0], s1  }
0x1b9: {  	s0 =	simm.s32 @!p0 $0x7  }
0x1ba: {  	_ =	swait.ge @!p0 [sflag:s0], s1  }
0x1bb: {  	s1 =	ssub.s32 @!p0 $0x0, s1;
	[sflag:s0] =	ssyncset.done @!p0 $0x0  }
0x1bc: {  	[sflag:s0] =	ssyncadd.s32 @!p0 s1  }
0x1bd: {  	[bflag:$0x3] =	sbarrier.arrive $0xFFFF  }
0x1be: {  	_ =	shalt  }

</sc_bundles>
